<compile_context>
chip_gen: v7x
topology: tpu7x:2x2x1
jax: 0.10.2.dev20260603
libtpu: 0.0.44.dev20260713+nightly
codegen_flags: <defaults>
</compile_context>

<pallas_src>
import functools

import jax
import jax.numpy as jnp
from jax import lax
from jax.experimental import pallas as pl
from jax.experimental.pallas import tpu as pltpu
from jax.experimental.pallas import tpu_sc as plsc

K_NBR = 16
GROUPS = 32
EPS = 1e-5

SC_NC = 2
SC_NS = 16
SC_NW = SC_NC * SC_NS

_PREC = lax.Precision.HIGHEST


def _pack_pair(lo, hi):
    lo_b = lax.shift_right_logical(
        lax.bitcast_convert_type(
            lo.astype(jnp.bfloat16).astype(jnp.float32), jnp.uint32),
        jnp.uint32(16))
    hi_b = lax.bitcast_convert_type(
        hi.astype(jnp.bfloat16).astype(jnp.float32), jnp.uint32)
    hi_b = hi_b & jnp.uint32(0xFFFF0000)
    return lax.bitcast_convert_type(lo_b | hi_b, jnp.int32)


def _unpack_pair(w):
    wu = lax.bitcast_convert_type(w, jnp.uint32)
    lo = lax.bitcast_convert_type(lax.shift_left(wu, jnp.uint32(16)),
                                  jnp.float32)
    hi = lax.bitcast_convert_type(wu & jnp.uint32(0xFFFF0000), jnp.float32)
    return lo, hi


def _unpack_block(w_block, PB, C):
    lo, hi = _unpack_pair(w_block)
    return jnp.concatenate([lo, hi], axis=1).reshape(PB, K_NBR, C)


def _stage_a_body(x_ref, w1_ref, b1_ref, idx_ref, u_ref, v_ref):
    C = x_ref.shape[1]
    N = x_ref.shape[2]
    xb = x_ref[0]
    w1 = w1_ref[...]
    wa = w1[:, :C]
    wb = w1[:, C:]
    inner = lax.dot_general(xb, xb, (((0,), (0,)), ((), ())),
                            preferred_element_type=jnp.float32,
                            precision=lax.Precision.DEFAULT)
    xx = jnp.sum(xb * xb, axis=0)
    dist = xx[:, None] + xx[None, :] - 2.0 * inner
    dist = jnp.maximum(dist, 0.0)
    lane = lax.broadcasted_iota(jnp.int32, (N, N), 1)
    d = dist
    cols = []
    for _ in range(K_NBR):
        am = jnp.argmin(d, axis=1).astype(jnp.int32)[:, None]
        cols.append(am)
        d = jnp.where(lane == am, jnp.inf, d)
    idxb = jnp.concatenate(cols, axis=1)
    idx_ref[0] = idxb + pl.program_id(0) * N
    u_ref[0] = lax.dot_general(xb, wa - wb, (((0,), (1,)), ((), ())),
                               preferred_element_type=jnp.float32,
                               precision=lax.Precision.DEFAULT) + b1_ref[...]
    vres = lax.dot_general(xb, wb, (((0,), (1,)), ((), ())),
                           preferred_element_type=jnp.float32,
                           precision=lax.Precision.DEFAULT)
    v_ref[0] = _pack_pair(vres[:, :C // 2], vres[:, C // 2:])


def _stage_a(x, W1, b1):
    B, C, N = x.shape
    return pl.pallas_call(
        _stage_a_body,
        grid=(B,),
        in_specs=[
            pl.BlockSpec((1, C, N), lambda b: (b, 0, 0)),
            pl.BlockSpec((C, 2 * C), lambda b: (0, 0)),
            pl.BlockSpec((1, C), lambda b: (0, 0)),
        ],
        out_specs=[
            pl.BlockSpec((1, N, K_NBR), lambda b: (b, 0, 0)),
            pl.BlockSpec((1, N, C), lambda b: (b, 0, 0)),
            pl.BlockSpec((1, N, C // 2), lambda b: (b, 0, 0)),
        ],
        out_shape=[
            jax.ShapeDtypeStruct((B, N, K_NBR), jnp.int32),
            jax.ShapeDtypeStruct((B, N, C), jnp.float32),
            jax.ShapeDtypeStruct((B, N, C // 2), jnp.int32),
        ],
    )(x, W1, b1)


def _sc_gather(gidx_flat, v_flat):
    E = gidx_flat.shape[0]
    C = v_flat.shape[1]
    epw = E // SC_NW
    ch = 128
    nch = epw // ch
    mesh = plsc.VectorSubcoreMesh(core_axis_name="c", subcore_axis_name="s")

    @functools.partial(
        pl.kernel,
        mesh=mesh,
        out_type=jax.ShapeDtypeStruct((E, C), jnp.int32),
        scratch_types=[
            pltpu.VMEM((nch, ch), jnp.int32),
            pltpu.VMEM((ch, C), jnp.int32),
            pltpu.VMEM((ch, C), jnp.int32),
            pltpu.VMEM((ch, C), jnp.int32),
            pltpu.VMEM((ch, C), jnp.int32),
            pltpu.SemaphoreType.DMA,
            pltpu.SemaphoreType.DMA,
            pltpu.SemaphoreType.DMA,
            pltpu.SemaphoreType.DMA,
        ],
    )
    def gather_kernel(idx_hbm, tab_hbm, out_hbm, iall, r0, r1, r2, r3,
                      g0, g1, w0, w1):
        wid = lax.axis_index("s") * SC_NC + lax.axis_index("c")
        base = wid * epw
        rbufs = (r0, r1, r2, r3)
        gsems = (g0, g1)
        wsems = (w0, w1)
        pltpu.sync_copy(idx_hbm.at[wid], iall)
        gcps = [None] * nch
        wcps = [None] * nch
        for t in range(min(2, nch)):
            gcps[t] = pltpu.async_copy(tab_hbm.at[iall.at[t]],
                                       rbufs[t % 4], gsems[t % 2])
        for t in range(nch):
            if t >= 2:
                wcps[t - 2].wait()
            gcps[t].wait()
            wcps[t] = pltpu.async_copy(
                rbufs[t % 4], out_hbm.at[pl.ds(base + t * ch, ch)],
                wsems[t % 2])
            if t + 2 < nch:
                gcps[t + 2] = pltpu.async_copy(tab_hbm.at[iall.at[t + 2]],
                                               rbufs[(t + 2) % 4],
                                               gsems[t % 2])
        for t in range(max(0, nch - 2), nch):
            wcps[t].wait()

    return gather_kernel(gidx_flat.reshape(SC_NW, nch, ch), v_flat)


def _stage_c_body(g_ref, u_ref, s_ref, q_ref):
    PB = u_ref.shape[1]
    C = u_ref.shape[2]
    g = _unpack_block(g_ref[0], PB, C)
    u = u_ref[0]
    h = g + u[:, None, :]
    s = jnp.sum(h, axis=(0, 1))
    q = jnp.sum(h * h, axis=(0, 1))

    @pl.when(pl.program_id(1) == 0)
    def _():
        s_ref[0, 0, :] = s
        q_ref[0, 0, :] = q

    @pl.when(pl.program_id(1) > 0)
    def _():
        s_ref[0, 0, :] += s
        q_ref[0, 0, :] += q


def _stage_c(G, u, PB):
    B, N, C = u.shape
    NB = N // PB
    return pl.pallas_call(
        _stage_c_body,
        grid=(B, NB),
        in_specs=[
            pl.BlockSpec((1, PB * K_NBR, C // 2), lambda b, nb: (b, nb, 0)),
            pl.BlockSpec((1, PB, C), lambda b, nb: (b, nb, 0)),
        ],
        out_specs=[
            pl.BlockSpec((1, 1, C), lambda b, nb: (b, 0, 0)),
            pl.BlockSpec((1, 1, C), lambda b, nb: (b, 0, 0)),
        ],
        out_shape=[
            jax.ShapeDtypeStruct((B, 1, C), jnp.float32),
            jax.ShapeDtypeStruct((B, 1, C), jnp.float32),
        ],
    )(G, u)


def _group_affine(s_row, q_row, gamma_row, beta_row, count):
    C = s_row.shape[1]
    cpg = C // GROUPS
    r = lax.broadcasted_iota(jnp.int32, (C, C), 0) // cpg
    c = lax.broadcasted_iota(jnp.int32, (C, C), 1) // cpg
    M = (r == c).astype(jnp.float32)
    sg = lax.dot_general(s_row, M, (((1,), (0,)), ((), ())),
                         preferred_element_type=jnp.float32, precision=_PREC)
    qg = lax.dot_general(q_row, M, (((1,), (0,)), ((), ())),
                         preferred_element_type=jnp.float32, precision=_PREC)
    mean = sg / count
    var = qg / count - mean * mean
    scale = gamma_row * lax.rsqrt(var + EPS)
    shift = beta_row - mean * scale
    return scale[0], shift[0]


def _compute_h2(g_ref, u_ref, s1_ref, q1_ref, g1_ref, bt1_ref, w2_ref,
                b2_ref, count):
    PB = u_ref.shape[1]
    C = u_ref.shape[2]
    scale, shift = _group_affine(s1_ref[0], q1_ref[0], g1_ref[...],
                                 bt1_ref[...], count)
    g = _unpack_block(g_ref[0], PB, C)
    u = u_ref[0]
    h1 = g + u[:, None, :]
    h1n = jnp.maximum(h1 * scale + shift, 0.0).reshape(PB * K_NBR, C)
    return lax.dot_general(h1n, w2_ref[...], (((1,), (1,)), ((), ())),
                           preferred_element_type=jnp.float32,
                           precision=lax.Precision.DEFAULT) + b2_ref[...]


def _stage_d_body(g_ref, u_ref, s1_ref, q1_ref, g1_ref, bt1_ref, w2_ref,
                  b2_ref, h2_ref, s2_ref, q2_ref, *, count):
    C = u_ref.shape[2]
    h2 = _compute_h2(g_ref, u_ref, s1_ref, q1_ref, g1_ref, bt1_ref, w2_ref,
                     b2_ref, count)
    h2_ref[0] = _pack_pair(h2[:, :C // 2], h2[:, C // 2:])
    s = jnp.sum(h2, axis=0)
    q = jnp.sum(h2 * h2, axis=0)

    @pl.when(pl.program_id(1) == 0)
    def _():
        s2_ref[0, 0, :] = s
        q2_ref[0, 0, :] = q

    @pl.when(pl.program_id(1) > 0)
    def _():
        s2_ref[0, 0, :] += s
        q2_ref[0, 0, :] += q


def _stage_d(G, u, s1, q1, g1, bt1, W2, b2, PB):
    B, N, C = u.shape
    NB = N // PB
    count = float(C // GROUPS) * N * K_NBR
    return pl.pallas_call(
        functools.partial(_stage_d_body, count=count),
        grid=(B, NB),
        in_specs=[
            pl.BlockSpec((1, PB * K_NBR, C // 2), lambda b, nb: (b, nb, 0)),
            pl.BlockSpec((1, PB, C), lambda b, nb: (b, nb, 0)),
            pl.BlockSpec((1, 1, C), lambda b, nb: (b, 0, 0)),
            pl.BlockSpec((1, 1, C), lambda b, nb: (b, 0, 0)),
            pl.BlockSpec((1, C), lambda b, nb: (0, 0)),
            pl.BlockSpec((1, C), lambda b, nb: (0, 0)),
            pl.BlockSpec((C, C), lambda b, nb: (0, 0)),
            pl.BlockSpec((1, C), lambda b, nb: (0, 0)),
        ],
        out_specs=[
            pl.BlockSpec((1, PB * K_NBR, C // 2), lambda b, nb: (b, nb, 0)),
            pl.BlockSpec((1, 1, C), lambda b, nb: (b, 0, 0)),
            pl.BlockSpec((1, 1, C), lambda b, nb: (b, 0, 0)),
        ],
        out_shape=[
            jax.ShapeDtypeStruct((B, N * K_NBR, C // 2), jnp.int32),
            jax.ShapeDtypeStruct((B, 1, C), jnp.float32),
            jax.ShapeDtypeStruct((B, 1, C), jnp.float32),
        ],
    )(G, u, s1, q1, g1, bt1, W2, b2)


def _stage_e_body(h2_ref, s2_ref, q2_ref, g2_ref, bt2_ref, x_ref, y_ref, *,
                  count):
    C = x_ref.shape[1]
    PB = x_ref.shape[2]
    scale, shift = _group_affine(s2_ref[0], q2_ref[0], g2_ref[...],
                                 bt2_ref[...], count)
    h = _unpack_block(h2_ref[0], PB, C)
    hn = jnp.maximum(h * scale + shift, 0.0)
    m = jnp.max(hn, axis=1)
    ri = lax.broadcasted_iota(jnp.int32, (PB, PB), 0)
    ci = lax.broadcasted_iota(jnp.int32, (PB, PB), 1)
    eye = (ri == ci).astype(jnp.float32)
    mt = lax.dot_general(m, eye, (((0,), (0,)), ((), ())),
                         preferred_element_type=jnp.float32, precision=_PREC)
    y_ref[0] = mt + x_ref[0]


def _stage_e(h2, s2, q2, g2, bt2, x, PB):
    B, C, N = x.shape
    NB = N // PB
    count = float(C // GROUPS) * N * K_NBR
    return pl.pallas_call(
        functools.partial(_stage_e_body, count=count),
        grid=(B, NB),
        in_specs=[
            pl.BlockSpec((1, PB * K_NBR, C // 2), lambda b, nb: (b, nb, 0)),
            pl.BlockSpec((1, 1, C), lambda b, nb: (b, 0, 0)),
            pl.BlockSpec((1, 1, C), lambda b, nb: (b, 0, 0)),
            pl.BlockSpec((1, C), lambda b, nb: (0, 0)),
            pl.BlockSpec((1, C), lambda b, nb: (0, 0)),
            pl.BlockSpec((1, C, PB), lambda b, nb: (b, 0, nb)),
        ],
        out_specs=pl.BlockSpec((1, C, PB), lambda b, nb: (b, 0, nb)),
        out_shape=jax.ShapeDtypeStruct((B, C, N), jnp.float32),
    )(h2, s2, q2, g2, bt2, x)


def kernel(x, W1, b1, g1, bt1, W2, b2, g2, bt2):
    B, C, N = x.shape
    PB = 512

    idx, u, vw = _stage_a(x, W1, b1.reshape(1, C))
    Gw = _sc_gather(idx.reshape(B * N * K_NBR), vw.reshape(B * N, C // 2))
    G = Gw.reshape(B, N * K_NBR, C // 2)
    s1, q1 = _stage_c(G, u, PB)
    h2, s2, q2 = _stage_d(G, u, s1, q1, g1.reshape(1, C), bt1.reshape(1, C),
                          W2, b2.reshape(1, C), PB)
    y = _stage_e(h2, s2, q2, g2.reshape(1, C), bt2.reshape(1, C), x, PB)
    return y

# --- scband reference (transcript-rebuilt; emitter-appended) ---
"""Pipeline reference for scband-edge-conv-block-17824114278742 (READ-ONLY COPY).

The authoritative reference and input builder live on the scoring server;
editing this copy changes nothing except your own understanding.
"""

import jax, jax.numpy as jnp
import numpy as np

K_NBR = 16
GROUPS = 32

def group_norm(x, gamma, beta, groups=GROUPS, eps=1e-5):
    B, C, N, K = x.shape
    g = min(groups, C)
    g = g if C % g == 0 else 1
    xr = x.reshape(B, g, C // g, N, K)
    mean = xr.mean(axis=(2, 3, 4), keepdims=True)
    var = xr.var(axis=(2, 3, 4), keepdims=True)
    xr = (xr - mean) / jnp.sqrt(var + eps)
    xn = xr.reshape(B, C, N, K)
    return xn * gamma[None, :, None, None] + beta[None, :, None, None]

def setup_inputs(seed: int = 0) -> dict:
    key = jax.random.key(seed)
    ks = jax.random.split(key, 8)
    B, C, N = 4, 256, 1024
    x = jax.random.normal(ks[0], (B, C, N), dtype=jnp.float32)
    W1 = jax.random.normal(ks[1], (C, 2 * C), dtype=jnp.float32) * 0.05
    b1 = jnp.zeros((C,), dtype=jnp.float32)
    g1 = jnp.ones((C,), dtype=jnp.float32)
    bt1 = jnp.zeros((C,), dtype=jnp.float32)
    W2 = jax.random.normal(ks[2], (C, C), dtype=jnp.float32) * 0.05
    b2 = jnp.zeros((C,), dtype=jnp.float32)
    g2 = jnp.ones((C,), dtype=jnp.float32)
    bt2 = jnp.zeros((C,), dtype=jnp.float32)
    return {"x": x, "W1": W1, "b1": b1, "g1": g1, "bt1": bt1, "W2": W2, "b2": b2, "g2": g2, "bt2": bt2}

def reference(x, W1, b1, g1, bt1, W2, b2, g2, bt2):
    B, C, N = x.shape
    k = min(K_NBR, N)
    # knn in feature space (L2)
    xx = (x ** 2).sum(axis=1)  # (B,N)
    inner = jnp.einsum('bcn,bcm->bnm', x, x)
    dist = xx[:, :, None] + xx[:, None, :] - 2.0 * inner
    dist = jnp.maximum(dist, 0.0)
    _, idx = jax.lax.top_k(-dist, k)  # smallest distances -> (B,N,k)
    # gather neighbors: feat (B,C,N), idx (B,N,k) -> (B,C,N,k)
    feat_t = x.transpose(0, 2, 1)  # (B,N,C)
    nbr = jax.vmap(lambda f, i: f[i])(feat_t, idx)  # (B,N,k,C)
    xj = nbr.transpose(0, 3, 1, 2)  # (B,C,N,k)
    xi = jnp.broadcast_to(x[..., None], xj.shape)
    edge = jnp.concatenate([xi, xj - xi], axis=1)  # (B,2C,N,k)
    h = jnp.einsum('oc,bcnk->bonk', W1, edge) + b1[None, :, None, None]
    h = jax.nn.relu(group_norm(h, g1, bt1))
    h = jnp.einsum('oc,bcnk->bonk', W2, h) + b2[None, :, None, None]
    h = jax.nn.relu(group_norm(h, g2, bt2))
    y = h.max(axis=-1)  # (B,C,N)
    y = y + x  # residual (in_ch == out_ch)
    return y

if __name__ == "__main__":
    import jax
    _d = setup_inputs()
    print(jax.jit(kernel)(*tuple(_d.values())))

</pallas_src>

<mosaic_0001>
#map = affine_map<(d0, d1) -> (0, 0, 0)>
#map1 = affine_map<(d0, d1) -> (0, 0)>
module attributes {stable_mosaic.version = 14 : i64} {
  func.func @gather_kernel(%arg0: i32, %arg1: i32, %arg2: memref<32x16x128xi32, #tpu.memory_space<hbm>>, %arg3: memref<4096x128xi32, #tpu.memory_space<hbm>>, %arg4: memref<65536x128xi32, #tpu.memory_space<hbm>>, %arg5: memref<16x128xi32, #tpu.memory_space<vmem>>, %arg6: memref<128x128xi32, #tpu.memory_space<vmem>>, %arg7: memref<128x128xi32, #tpu.memory_space<vmem>>, %arg8: memref<128x128xi32, #tpu.memory_space<vmem>>, %arg9: memref<128x128xi32, #tpu.memory_space<vmem>>, %arg10: memref<!tpu.dma_semaphore, #tpu.memory_space<semaphore_mem>>, %arg11: memref<!tpu.dma_semaphore, #tpu.memory_space<semaphore_mem>>, %arg12: memref<!tpu.dma_semaphore, #tpu.memory_space<semaphore_mem>>, %arg13: memref<!tpu.dma_semaphore, #tpu.memory_space<semaphore_mem>>) attributes {dimension_semantics = [#tpu.dimension_semantics<core_parallel>, #tpu.dimension_semantics<subcore_parallel>], iteration_bounds = array<i64: 2, 16>, scalar_prefetch = 0 : i64, scratch_operands = 9 : i64, tpu.core_type = #tpu.core_type<sc_vector_subcore>, window_params = [{transform_indices = #map}, {transform_indices = #map1}, {transform_indices = #map1}]} {
    %mul3A = arith.constant 2 : i32
    %mul3A_0 = arith.muli %arg1, %mul3A : i32
    %add3A = arith.addi %mul3A_0, %arg0 : i32
    %mul3A_1 = arith.constant 2048 : i32
    %mul3A_2 = arith.muli %add3A, %mul3A_1 : i32
    "tpu.region"() ({
      %run_scoped3A = tpu.sem_alloc : memref<!tpu.dma_semaphore, #tpu.memory_space<semaphore_mem>>
      %dma_start3A_385 = arith.constant 0 : i32
      %dma_start3A_386 = arith.constant 0 : i32
      %dma_start3A_387 = tpu.memref_slice %arg2[%add3A, %dma_start3A_385, %dma_start3A_386] : memref<32x16x128xi32, #tpu.memory_space<hbm>> -> memref<1x16x128xi32, #tpu.memory_space<hbm>>
      %dma_start3A_388 = tpu.memref_squeeze %dma_start3A_387 : memref<1x16x128xi32, #tpu.memory_space<hbm>> -> memref<16x128xi32, #tpu.memory_space<hbm>>
      %dma_start3A_389 = arith.constant 0 : i32
      %dma_start3A_390 = arith.constant 0 : i32
      %dma_start3A_391 = tpu.memref_slice %arg2[%add3A, %dma_start3A_389, %dma_start3A_390] : memref<32x16x128xi32, #tpu.memory_space<hbm>> -> memref<1x16x128xi32, #tpu.memory_space<hbm>>
      %dma_start3A_392 = tpu.memref_squeeze %dma_start3A_391 : memref<1x16x128xi32, #tpu.memory_space<hbm>> -> memref<16x128xi32, #tpu.memory_space<hbm>>
      tpu.enqueue_dma source(%dma_start3A_392 : memref<16x128xi32, #tpu.memory_space<hbm>>) target(%arg5 : memref<16x128xi32, #tpu.memory_space<vmem>>) target_semaphore(%run_scoped3A : memref<!tpu.dma_semaphore, #tpu.memory_space<semaphore_mem>>)
      %dma_wait3A_393 = arith.constant 0 : i32
      %dma_wait3A_394 = arith.constant 0 : i32
      %dma_wait3A_395 = tpu.memref_slice %arg2[%add3A, %dma_wait3A_393, %dma_wait3A_394] : memref<32x16x128xi32, #tpu.memory_space<hbm>> -> memref<1x16x128xi32, #tpu.memory_space<hbm>>
      %dma_wait3A_396 = tpu.memref_squeeze %dma_wait3A_395 : memref<1x16x128xi32, #tpu.memory_space<hbm>> -> memref<16x128xi32, #tpu.memory_space<hbm>>
      %dma_wait3A_397 = arith.constant 0 : i32
      %dma_wait3A_398 = arith.constant 0 : i32
      %dma_wait3A_399 = tpu.memref_slice %arg2[%add3A, %dma_wait3A_397, %dma_wait3A_398] : memref<32x16x128xi32, #tpu.memory_space<hbm>> -> memref<1x16x128xi32, #tpu.memory_space<hbm>>
      %dma_wait3A_400 = tpu.memref_squeeze %dma_wait3A_399 : memref<1x16x128xi32, #tpu.memory_space<hbm>> -> memref<16x128xi32, #tpu.memory_space<hbm>>
      tpu.wait_dma2 semaphore(%run_scoped3A : memref<!tpu.dma_semaphore, #tpu.memory_space<semaphore_mem>>) src(%dma_wait3A_400 : memref<16x128xi32, #tpu.memory_space<hbm>>) dst(%arg5 : memref<16x128xi32, #tpu.memory_space<vmem>>)
      tpu.yield
    }) : () -> ()
    %dma_start3A = arith.constant 0 : i32
    %dma_start3A_3 = arith.constant 0 : i32
    %dma_start3A_4 = tpu.memref_slice %arg5[%dma_start3A, %dma_start3A_3] : memref<16x128xi32, #tpu.memory_space<vmem>> -> memref<1x128xi32, #tpu.memory_space<vmem>>
    %dma_start3A_5 = tpu.memref_squeeze %dma_start3A_4 : memref<1x128xi32, #tpu.memory_space<vmem>> -> memref<128xi32, #tpu.memory_space<vmem>>
    %dma_start3A_6 = arith.constant 0 : i32
    %dma_start3A_7 = arith.constant 0 : i32
    %dma_start3A_8 = tpu.memref_slice %arg3[%dma_start3A_6, %dma_start3A_7] : memref<4096x128xi32, #tpu.memory_space<hbm>> -> memref<4096x128xi32, #tpu.memory_space<hbm>>
    tpu.enqueue_indirect_dma source(%dma_start3A_8 : memref<4096x128xi32, #tpu.memory_space<hbm>>) target(%arg6 : memref<128x128xi32, #tpu.memory_space<vmem>>) offsets(%dma_start3A_5 : memref<128xi32, #tpu.memory_space<vmem>>) semaphore(%arg10 : memref<!tpu.dma_semaphore, #tpu.memory_space<semaphore_mem>>)
    %dma_start3A_9 = arith.constant 1 : i32
    %dma_start3A_10 = arith.constant 0 : i32
    %dma_start3A_11 = tpu.memref_slice %arg5[%dma_start3A_9, %dma_start3A_10] : memref<16x128xi32, #tpu.memory_space<vmem>> -> memref<1x128xi32, #tpu.memory_space<vmem>>
    %dma_start3A_12 = tpu.memref_squeeze %dma_start3A_11 : memref<1x128xi32, #tpu.memory_space<vmem>> -> memref<128xi32, #tpu.memory_space<vmem>>
    %dma_start3A_13 = arith.constant 0 : i32
    %dma_start3A_14 = arith.constant 0 : i32
    %dma_start3A_15 = tpu.memref_slice %arg3[%dma_start3A_13, %dma_start3A_14] : memref<4096x128xi32, #tpu.memory_space<hbm>> -> memref<4096x128xi32, #tpu.memory_space<hbm>>
    tpu.enqueue_indirect_dma source(%dma_start3A_15 : memref<4096x128xi32, #tpu.memory_space<hbm>>) target(%arg7 : memref<128x128xi32, #tpu.memory_space<vmem>>) offsets(%dma_start3A_12 : memref<128xi32, #tpu.memory_space<vmem>>) semaphore(%arg11 : memref<!tpu.dma_semaphore, #tpu.memory_space<semaphore_mem>>)
    %dma_wait3A = arith.constant 0 : i32
    %dma_wait3A_16 = arith.constant 0 : i32
    %dma_wait3A_17 = tpu.memref_slice %arg5[%dma_wait3A, %dma_wait3A_16] : memref<16x128xi32, #tpu.memory_space<vmem>> -> memref<1x128xi32, #tpu.memory_space<vmem>>
    %dma_wait3A_18 = tpu.memref_squeeze %dma_wait3A_17 : memref<1x128xi32, #tpu.memory_space<vmem>> -> memref<128xi32, #tpu.memory_space<vmem>>
    %dma_wait3A_19 = arith.constant 0 : i32
    %dma_wait3A_20 = arith.constant 0 : i32
    %dma_wait3A_21 = tpu.memref_slice %arg3[%dma_wait3A_19, %dma_wait3A_20] : memref<4096x128xi32, #tpu.memory_space<hbm>> -> memref<4096x128xi32, #tpu.memory_space<hbm>>
    tpu.wait_indirect_dma semaphore(%arg10 : memref<!tpu.dma_semaphore, #tpu.memory_space<semaphore_mem>>) src(%dma_wait3A_21 : memref<4096x128xi32, #tpu.memory_space<hbm>>) dst(%arg6 : memref<128x128xi32, #tpu.memory_space<vmem>>)
    %add3A_22 = arith.constant 0 : i32
    %add3A_23 = arith.addi %mul3A_2, %add3A_22 : i32
    %dma_start3A_24 = arith.constant 0 : i32
    %dma_start3A_25 = tpu.memref_slice %arg4[%add3A_23, %dma_start3A_24] : memref<65536x128xi32, #tpu.memory_space<hbm>> -> memref<128x128xi32, #tpu.memory_space<hbm>>
    %dma_start3A_26 = arith.constant 0 : i32
    %dma_start3A_27 = tpu.memref_slice %arg4[%add3A_23, %dma_start3A_26] : memref<65536x128xi32, #tpu.memory_space<hbm>> -> memref<128x128xi32, #tpu.memory_space<hbm>>
    tpu.enqueue_dma source(%arg6 : memref<128x128xi32, #tpu.memory_space<vmem>>) target(%dma_start3A_27 : memref<128x128xi32, #tpu.memory_space<hbm>>) target_semaphore(%arg12 : memref<!tpu.dma_semaphore, #tpu.memory_space<semaphore_mem>>)
    %dma_start3A_28 = arith.constant 2 : i32
    %dma_start3A_29 = arith.constant 0 : i32
    %dma_start3A_30 = tpu.memref_slice %arg5[%dma_start3A_28, %dma_start3A_29] : memref<16x128xi32, #tpu.memory_space<vmem>> -> memref<1x128xi32, #tpu.memory_space<vmem>>
    %dma_start3A_31 = tpu.memref_squeeze %dma_start3A_30 : memref<1x128xi32, #tpu.memory_space<vmem>> -> memref<128xi32, #tpu.memory_space<vmem>>
    %dma_start3A_32 = arith.constant 0 : i32
    %dma_start3A_33 = arith.constant 0 : i32
    %dma_start3A_34 = tpu.memref_slice %arg3[%dma_start3A_32, %dma_start3A_33] : memref<4096x128xi32, #tpu.memory_space<hbm>> -> memref<4096x128xi32, #tpu.memory_space<hbm>>
    tpu.enqueue_indirect_dma source(%dma_start3A_34 : memref<4096x128xi32, #tpu.memory_space<hbm>>) target(%arg8 : memref<128x128xi32, #tpu.memory_space<vmem>>) offsets(%dma_start3A_31 : memref<128xi32, #tpu.memory_space<vmem>>) semaphore(%arg10 : memref<!tpu.dma_semaphore, #tpu.memory_space<semaphore_mem>>)
    %dma_wait3A_35 = arith.constant 1 : i32
    %dma_wait3A_36 = arith.constant 0 : i32
    %dma_wait3A_37 = tpu.memref_slice %arg5[%dma_wait3A_35, %dma_wait3A_36] : memref<16x128xi32, #tpu.memory_space<vmem>> -> memref<1x128xi32, #tpu.memory_space<vmem>>
    %dma_wait3A_38 = tpu.memref_squeeze %dma_wait3A_37 : memref<1x128xi32, #tpu.memory_space<vmem>> -> memref<128xi32, #tpu.memory_space<vmem>>
    %dma_wait3A_39 = arith.constant 0 : i32
    %dma_wait3A_40 = arith.constant 0 : i32
    %dma_wait3A_41 = tpu.memref_slice %arg3[%dma_wait3A_39, %dma_wait3A_40] : memref<4096x128xi32, #tpu.memory_space<hbm>> -> memref<4096x128xi32, #tpu.memory_space<hbm>>
    tpu.wait_indirect_dma semaphore(%arg11 : memref<!tpu.dma_semaphore, #tpu.memory_space<semaphore_mem>>) src(%dma_wait3A_41 : memref<4096x128xi32, #tpu.memory_space<hbm>>) dst(%arg7 : memref<128x128xi32, #tpu.memory_space<vmem>>)
    %add3A_42 = arith.constant 128 : i32
    %add3A_43 = arith.addi %mul3A_2, %add3A_42 : i32
    %dma_start3A_44 = arith.constant 0 : i32
    %dma_start3A_45 = tpu.memref_slice %arg4[%add3A_43, %dma_start3A_44] : memref<65536x128xi32, #tpu.memory_space<hbm>> -> memref<128x128xi32, #tpu.memory_space<hbm>>
    %dma_start3A_46 = arith.constant 0 : i32
    %dma_start3A_47 = tpu.memref_slice %arg4[%add3A_43, %dma_start3A_46] : memref<65536x128xi32, #tpu.memory_space<hbm>> -> memref<128x128xi32, #tpu.memory_space<hbm>>
    tpu.enqueue_dma source(%arg7 : memref<128x128xi32, #tpu.memory_space<vmem>>) target(%dma_start3A_47 : memref<128x128xi32, #tpu.memory_space<hbm>>) target_semaphore(%arg13 : memref<!tpu.dma_semaphore, #tpu.memory_space<semaphore_mem>>)
    %dma_start3A_48 = arith.constant 3 : i32
    %dma_start3A_49 = arith.constant 0 : i32
    %dma_start3A_50 = tpu.memref_slice %arg5[%dma_start3A_48, %dma_start3A_49] : memref<16x128xi32, #tpu.memory_space<vmem>> -> memref<1x128xi32, #tpu.memory_space<vmem>>
    %dma_start3A_51 = tpu.memref_squeeze %dma_start3A_50 : memref<1x128xi32, #tpu.memory_space<vmem>> -> memref<128xi32, #tpu.memory_space<vmem>>
    %dma_start3A_52 = arith.constant 0 : i32
    %dma_start3A_53 = arith.constant 0 : i32
    %dma_start3A_54 = tpu.memref_slice %arg3[%dma_start3A_52, %dma_start3A_53] : memref<4096x128xi32, #tpu.memory_space<hbm>> -> memref<4096x128xi32, #tpu.memory_space<hbm>>
    tpu.enqueue_indirect_dma source(%dma_start3A_54 : memref<4096x128xi32, #tpu.memory_space<hbm>>) target(%arg9 : memref<128x128xi32, #tpu.memory_space<vmem>>) offsets(%dma_start3A_51 : memref<128xi32, #tpu.memory_space<vmem>>) semaphore(%arg11 : memref<!tpu.dma_semaphore, #tpu.memory_space<semaphore_mem>>)
    %dma_wait3A_55 = arith.constant 0 : i32
    %dma_wait3A_56 = tpu.memref_slice %arg4[%add3A_23, %dma_wait3A_55] : memref<65536x128xi32, #tpu.memory_space<hbm>> -> memref<128x128xi32, #tpu.memory_space<hbm>>
    %dma_wait3A_57 = arith.constant 0 : i32
    %dma_wait3A_58 = tpu.memref_slice %arg4[%add3A_23, %dma_wait3A_57] : memref<65536x128xi32, #tpu.memory_space<hbm>> -> memref<128x128xi32, #tpu.memory_space<hbm>>
    tpu.wait_dma2 semaphore(%arg12 : memref<!tpu.dma_semaphore, #tpu.memory_space<semaphore_mem>>) src(%arg6 : memref<128x128xi32, #tpu.memory_space<vmem>>) dst(%dma_wait3A_58 : memref<128x128xi32, #tpu.memory_space<hbm>>)
    %dma_wait3A_59 = arith.constant 2 : i32
    %dma_wait3A_60 = arith.constant 0 : i32
    %dma_wait3A_61 = tpu.memref_slice %arg5[%dma_wait3A_59, %dma_wait3A_60] : memref<16x128xi32, #tpu.memory_space<vmem>> -> memref<1x128xi32, #tpu.memory_space<vmem>>
    %dma_wait3A_62 = tpu.memref_squeeze %dma_wait3A_61 : memref<1x128xi32, #tpu.memory_space<vmem>> -> memref<128xi32, #tpu.memory_space<vmem>>
    %dma_wait3A_63 = arith.constant 0 : i32
    %dma_wait3A_64 = arith.constant 0 : i32
    %dma_wait3A_65 = tpu.memref_slice %arg3[%dma_wait3A_63, %dma_wait3A_64] : memref<4096x128xi32, #tpu.memory_space<hbm>> -> memref<4096x128xi32, #tpu.memory_space<hbm>>
    tpu.wait_indirect_dma semaphore(%arg10 : memref<!tpu.dma_semaphore, #tpu.memory_space<semaphore_mem>>) src(%dma_wait3A_65 : memref<4096x128xi32, #tpu.memory_space<hbm>>) dst(%arg8 : memref<128x128xi32, #tpu.memory_space<vmem>>)
    %add3A_66 = arith.constant 256 : i32
    %add3A_67 = arith.addi %mul3A_2, %add3A_66 : i32
    %dma_start3A_68 = arith.constant 0 : i32
    %dma_start3A_69 = tpu.memref_slice %arg4[%add3A_67, %dma_start3A_68] : memref<65536x128xi32, #tpu.memory_space<hbm>> -> memref<128x128xi32, #tpu.memory_space<hbm>>
    %dma_start3A_70 = arith.constant 0 : i32
    %dma_start3A_71 = tpu.memref_slice %arg4[%add3A_67, %dma_start3A_70] : memref<65536x128xi32, #tpu.memory_space<hbm>> -> memref<128x128xi32, #tpu.memory_space<hbm>>
    tpu.enqueue_dma source(%arg8 : memref<128x128xi32, #tpu.memory_space<vmem>>) target(%dma_start3A_71 : memref<128x128xi32, #tpu.memory_space<hbm>>) target_semaphore(%arg12 : memref<!tpu.dma_semaphore, #tpu.memory_space<semaphore_mem>>)
    %dma_start3A_72 = arith.constant 4 : i32
    %dma_start3A_73 = arith.constant 0 : i32
    %dma_start3A_74 = tpu.memref_slice %arg5[%dma_start3A_72, %dma_start3A_73] : memref<16x128xi32, #tpu.memory_space<vmem>> -> memref<1x128xi32, #tpu.memory_space<vmem>>
    %dma_start3A_75 = tpu.memref_squeeze %dma_start3A_74 : memref<1x128xi32, #tpu.memory_space<vmem>> -> memref<128xi32, #tpu.memory_space<vmem>>
    %dma_start3A_76 = arith.constant 0 : i32
    %dma_start3A_77 = arith.constant 0 : i32
    %dma_start3A_78 = tpu.memref_slice %arg3[%dma_start3A_76, %dma_start3A_77] : memref<4096x128xi32, #tpu.memory_space<hbm>> -> memref<4096x128xi32, #tpu.memory_space<hbm>>
    tpu.enqueue_indirect_dma source(%dma_start3A_78 : memref<4096x128xi32, #tpu.memory_space<hbm>>) target(%arg6 : memref<128x128xi32, #tpu.memory_space<vmem>>) offsets(%dma_start3A_75 : memref<128xi32, #tpu.memory_space<vmem>>) semaphore(%arg10 : memref<!tpu.dma_semaphore, #tpu.memory_space<semaphore_mem>>)
    %dma_wait3A_79 = arith.constant 0 : i32
    %dma_wait3A_80 = tpu.memref_slice %arg4[%add3A_43, %dma_wait3A_79] : memref<65536x128xi32, #tpu.memory_space<hbm>> -> memref<128x128xi32, #tpu.memory_space<hbm>>
    %dma_wait3A_81 = arith.constant 0 : i32
    %dma_wait3A_82 = tpu.memref_slice %arg4[%add3A_43, %dma_wait3A_81] : memref<65536x128xi32, #tpu.memory_space<hbm>> -> memref<128x128xi32, #tpu.memory_space<hbm>>
    tpu.wait_dma2 semaphore(%arg13 : memref<!tpu.dma_semaphore, #tpu.memory_space<semaphore_mem>>) src(%arg7 : memref<128x128xi32, #tpu.memory_space<vmem>>) dst(%dma_wait3A_82 : memref<128x128xi32, #tpu.memory_space<hbm>>)
    %dma_wait3A_83 = arith.constant 3 : i32
    %dma_wait3A_84 = arith.constant 0 : i32
    %dma_wait3A_85 = tpu.memref_slice %arg5[%dma_wait3A_83, %dma_wait3A_84] : memref<16x128xi32, #tpu.memory_space<vmem>> -> memref<1x128xi32, #tpu.memory_space<vmem>>
    %dma_wait3A_86 = tpu.memref_squeeze %dma_wait3A_85 : memref<1x128xi32, #tpu.memory_space<vmem>> -> memref<128xi32, #tpu.memory_space<vmem>>
    %dma_wait3A_87 = arith.constant 0 : i32
    %dma_wait3A_88 = arith.constant 0 : i32
    %dma_wait3A_89 = tpu.memref_slice %arg3[%dma_wait3A_87, %dma_wait3A_88] : memref<4096x128xi32, #tpu.memory_space<hbm>> -> memref<4096x128xi32, #tpu.memory_space<hbm>>
    tpu.wait_indirect_dma semaphore(%arg11 : memref<!tpu.dma_semaphore, #tpu.memory_space<semaphore_mem>>) src(%dma_wait3A_89 : memref<4096x128xi32, #tpu.memory_space<hbm>>) dst(%arg9 : memref<128x128xi32, #tpu.memory_space<vmem>>)
    %add3A_90 = arith.constant 384 : i32
    %add3A_91 = arith.addi %mul3A_2, %add3A_90 : i32
    %dma_start3A_92 = arith.constant 0 : i32
    %dma_start3A_93 = tpu.memref_slice %arg4[%add3A_91, %dma_start3A_92] : memref<65536x128xi32, #tpu.memory_space<hbm>> -> memref<128x128xi32, #tpu.memory_space<hbm>>
    %dma_start3A_94 = arith.constant 0 : i32
    %dma_start3A_95 = tpu.memref_slice %arg4[%add3A_91, %dma_start3A_94] : memref<65536x128xi32, #tpu.memory_space<hbm>> -> memref<128x128xi32, #tpu.memory_space<hbm>>
    tpu.enqueue_dma source(%arg9 : memref<128x128xi32, #tpu.memory_space<vmem>>) target(%dma_start3A_95 : memref<128x128xi32, #tpu.memory_space<hbm>>) target_semaphore(%arg13 : memref<!tpu.dma_semaphore, #tpu.memory_space<semaphore_mem>>)
    %dma_start3A_96 = arith.constant 5 : i32
    %dma_start3A_97 = arith.constant 0 : i32
    %dma_start3A_98 = tpu.memref_slice %arg5[%dma_start3A_96, %dma_start3A_97] : memref<16x128xi32, #tpu.memory_space<vmem>> -> memref<1x128xi32, #tpu.memory_space<vmem>>
    %dma_start3A_99 = tpu.memref_squeeze %dma_start3A_98 : memref<1x128xi32, #tpu.memory_space<vmem>> -> memref<128xi32, #tpu.memory_space<vmem>>
    %dma_start3A_100 = arith.constant 0 : i32
    %dma_start3A_101 = arith.constant 0 : i32
    %dma_start3A_102 = tpu.memref_slice %arg3[%dma_start3A_100, %dma_start3A_101] : memref<4096x128xi32, #tpu.memory_space<hbm>> -> memref<4096x128xi32, #tpu.memory_space<hbm>>
    tpu.enqueue_indirect_dma source(%dma_start3A_102 : memref<4096x128xi32, #tpu.memory_space<hbm>>) target(%arg7 : memref<128x128xi32, #tpu.memory_space<vmem>>) offsets(%dma_start3A_99 : memref<128xi32, #tpu.memory_space<vmem>>) semaphore(%arg11 : memref<!tpu.dma_semaphore, #tpu.memory_space<semaphore_mem>>)
    %dma_wait3A_103 = arith.constant 0 : i32
    %dma_wait3A_104 = tpu.memref_slice %arg4[%add3A_67, %dma_wait3A_103] : memref<65536x128xi32, #tpu.memory_space<hbm>> -> memref<128x128xi32, #tpu.memory_space<hbm>>
    %dma_wait3A_105 = arith.constant 0 : i32
    %dma_wait3A_106 = tpu.memref_slice %arg4[%add3A_67, %dma_wait3A_105] : memref<65536x128xi32, #tpu.memory_space<hbm>> -> memref<128x128xi32, #tpu.memory_space<hbm>>
    tpu.wait_dma2 semaphore(%arg12 : memref<!tpu.dma_semaphore, #tpu.memory_space<semaphore_mem>>) src(%arg8 : memref<128x128xi32, #tpu.memory_space<vmem>>) dst(%dma_wait3A_106 : memref<128x128xi32, #tpu.memory_space<hbm>>)
    %dma_wait3A_107 = arith.constant 4 : i32
    %dma_wait3A_108 = arith.constant 0 : i32
    %dma_wait3A_109 = tpu.memref_slice %arg5[%dma_wait3A_107, %dma_wait3A_108] : memref<16x128xi32, #tpu.memory_space<vmem>> -> memref<1x128xi32, #tpu.memory_space<vmem>>
    %dma_wait3A_110 = tpu.memref_squeeze %dma_wait3A_109 : memref<1x128xi32, #tpu.memory_space<vmem>> -> memref<128xi32, #tpu.memory_space<vmem>>
    %dma_wait3A_111 = arith.constant 0 : i32
    %dma_wait3A_112 = arith.constant 0 : i32
    %dma_wait3A_113 = tpu.memref_slice %arg3[%dma_wait3A_111, %dma_wait3A_112] : memref<4096x128xi32, #tpu.memory_space<hbm>> -> memref<4096x128xi32, #tpu.memory_space<hbm>>
    tpu.wait_indirect_dma semaphore(%arg10 : memref<!tpu.dma_semaphore, #tpu.memory_space<semaphore_mem>>) src(%dma_wait3A_113 : memref<4096x128xi32, #tpu.memory_space<hbm>>) dst(%arg6 : memref<128x128xi32, #tpu.memory_space<vmem>>)
    %add3A_114 = arith.constant 512 : i32
    %add3A_115 = arith.addi %mul3A_2, %add3A_114 : i32
    %dma_start3A_116 = arith.constant 0 : i32
    %dma_start3A_117 = tpu.memref_slice %arg4[%add3A_115, %dma_start3A_116] : memref<65536x128xi32, #tpu.memory_space<hbm>> -> memref<128x128xi32, #tpu.memory_space<hbm>>
    %dma_start3A_118 = arith.constant 0 : i32
    %dma_start3A_119 = tpu.memref_slice %arg4[%add3A_115, %dma_start3A_118] : memref<65536x128xi32, #tpu.memory_space<hbm>> -> memref<128x128xi32, #tpu.memory_space<hbm>>
    tpu.enqueue_dma source(%arg6 : memref<128x128xi32, #tpu.memory_space<vmem>>) target(%dma_start3A_119 : memref<128x128xi32, #tpu.memory_space<hbm>>) target_semaphore(%arg12 : memref<!tpu.dma_semaphore, #tpu.memory_space<semaphore_mem>>)
    %dma_start3A_120 = arith.constant 6 : i32
    %dma_start3A_121 = arith.constant 0 : i32
    %dma_start3A_122 = tpu.memref_slice %arg5[%dma_start3A_120, %dma_start3A_121] : memref<16x128xi32, #tpu.memory_space<vmem>> -> memref<1x128xi32, #tpu.memory_space<vmem>>
    %dma_start3A_123 = tpu.memref_squeeze %dma_start3A_122 : memref<1x128xi32, #tpu.memory_space<vmem>> -> memref<128xi32, #tpu.memory_space<vmem>>
    %dma_start3A_124 = arith.constant 0 : i32
    %dma_start3A_125 = arith.constant 0 : i32
    %dma_start3A_126 = tpu.memref_slice %arg3[%dma_start3A_124, %dma_start3A_125] : memref<4096x128xi32, #tpu.memory_space<hbm>> -> memref<4096x128xi32, #tpu.memory_space<hbm>>
    tpu.enqueue_indirect_dma source(%dma_start3A_126 : memref<4096x128xi32, #tpu.memory_space<hbm>>) target(%arg8 : memref<128x128xi32, #tpu.memory_space<vmem>>) offsets(%dma_start3A_123 : memref<128xi32, #tpu.memory_space<vmem>>) semaphore(%arg10 : memref<!tpu.dma_semaphore, #tpu.memory_space<semaphore_mem>>)
    %dma_wait3A_127 = arith.constant 0 : i32
    %dma_wait3A_128 = tpu.memref_slice %arg4[%add3A_91, %dma_wait3A_127] : memref<65536x128xi32, #tpu.memory_space<hbm>> -> memref<128x128xi32, #tpu.memory_space<hbm>>
    %dma_wait3A_129 = arith.constant 0 : i32
    %dma_wait3A_130 = tpu.memref_slice %arg4[%add3A_91, %dma_wait3A_129] : memref<65536x128xi32, #tpu.memory_space<hbm>> -> memref<128x128xi32, #tpu.memory_space<hbm>>
    tpu.wait_dma2 semaphore(%arg13 : memref<!tpu.dma_semaphore, #tpu.memory_space<semaphore_mem>>) src(%arg9 : memref<128x128xi32, #tpu.memory_space<vmem>>) dst(%dma_wait3A_130 : memref<128x128xi32, #tpu.memory_space<hbm>>)
    %dma_wait3A_131 = arith.constant 5 : i32
    %dma_wait3A_132 = arith.constant 0 : i32
    %dma_wait3A_133 = tpu.memref_slice %arg5[%dma_wait3A_131, %dma_wait3A_132] : memref<16x128xi32, #tpu.memory_space<vmem>> -> memref<1x128xi32, #tpu.memory_space<vmem>>
    %dma_wait3A_134 = tpu.memref_squeeze %dma_wait3A_133 : memref<1x128xi32, #tpu.memory_space<vmem>> -> memref<128xi32, #tpu.memory_space<vmem>>
    %dma_wait3A_135 = arith.constant 0 : i32
    %dma_wait3A_136 = arith.constant 0 : i32
    %dma_wait3A_137 = tpu.memref_slice %arg3[%dma_wait3A_135, %dma_wait3A_136] : memref<4096x128xi32, #tpu.memory_space<hbm>> -> memref<4096x128xi32, #tpu.memory_space<hbm>>
    tpu.wait_indirect_dma semaphore(%arg11 : memref<!tpu.dma_semaphore, #tpu.memory_space<semaphore_mem>>) src(%dma_wait3A_137 : memref<4096x128xi32, #tpu.memory_space<hbm>>) dst(%arg7 : memref<128x128xi32, #tpu.memory_space<vmem>>)
    %add3A_138 = arith.constant 640 : i32
    %add3A_139 = arith.addi %mul3A_2, %add3A_138 : i32
    %dma_start3A_140 = arith.constant 0 : i32
    %dma_start3A_141 = tpu.memref_slice %arg4[%add3A_139, %dma_start3A_140] : memref<65536x128xi32, #tpu.memory_space<hbm>> -> memref<128x128xi32, #tpu.memory_space<hbm>>
    %dma_start3A_142 = arith.constant 0 : i32
    %dma_start3A_143 = tpu.memref_slice %arg4[%add3A_139, %dma_start3A_142] : memref<65536x128xi32, #tpu.memory_space<hbm>> -> memref<128x128xi32, #tpu.memory_space<hbm>>
    tpu.enqueue_dma source(%arg7 : memref<128x128xi32, #tpu.memory_space<vmem>>) target(%dma_start3A_143 : memref<128x128xi32, #tpu.memory_space<hbm>>) target_semaphore(%arg13 : memref<!tpu.dma_semaphore, #tpu.memory_space<semaphore_mem>>)
    %dma_start3A_144 = arith.constant 7 : i32
    %dma_start3A_145 = arith.constant 0 : i32
    %dma_start3A_146 = tpu.memref_slice %arg5[%dma_start3A_144, %dma_start3A_145] : memref<16x128xi32, #tpu.memory_space<vmem>> -> memref<1x128xi32, #tpu.memory_space<vmem>>
    %dma_start3A_147 = tpu.memref_squeeze %dma_start3A_146 : memref<1x128xi32, #tpu.memory_space<vmem>> -> memref<128xi32, #tpu.memory_space<vmem>>
    %dma_start3A_148 = arith.constant 0 : i32
    %dma_start3A_149 = arith.constant 0 : i32
    %dma_start3A_150 = tpu.memref_slice %arg3[%dma_start3A_148, %dma_start3A_149] : memref<4096x128xi32, #tpu.memory_space<hbm>> -> memref<4096x128xi32, #tpu.memory_space<hbm>>
    tpu.enqueue_indirect_dma source(%dma_start3A_150 : memref<4096x128xi32, #tpu.memory_space<hbm>>) target(%arg9 : memref<128x128xi32, #tpu.memory_space<vmem>>) offsets(%dma_start3A_147 : memref<128xi32, #tpu.memory_space<vmem>>) semaphore(%arg11 : memref<!tpu.dma_semaphore, #tpu.memory_space<semaphore_mem>>)
    %dma_wait3A_151 = arith.constant 0 : i32
    %dma_wait3A_152 = tpu.memref_slice %arg4[%add3A_115, %dma_wait3A_151] : memref<65536x128xi32, #tpu.memory_space<hbm>> -> memref<128x128xi32, #tpu.memory_space<hbm>>
    %dma_wait3A_153 = arith.constant 0 : i32
    %dma_wait3A_154 = tpu.memref_slice %arg4[%add3A_115, %dma_wait3A_153] : memref<65536x128xi32, #tpu.memory_space<hbm>> -> memref<128x128xi32, #tpu.memory_space<hbm>>
    tpu.wait_dma2 semaphore(%arg12 : memref<!tpu.dma_semaphore, #tpu.memory_space<semaphore_mem>>) src(%arg6 : memref<128x128xi32, #tpu.memory_space<vmem>>) dst(%dma_wait3A_154 : memref<128x128xi32, #tpu.memory_space<hbm>>)
    %dma_wait3A_155 = arith.constant 6 : i32
    %dma_wait3A_156 = arith.constant 0 : i32
    %dma_wait3A_157 = tpu.memref_slice %arg5[%dma_wait3A_155, %dma_wait3A_156] : memref<16x128xi32, #tpu.memory_space<vmem>> -> memref<1x128xi32, #tpu.memory_space<vmem>>
    %dma_wait3A_158 = tpu.memref_squeeze %dma_wait3A_157 : memref<1x128xi32, #tpu.memory_space<vmem>> -> memref<128xi32, #tpu.memory_space<vmem>>
    %dma_wait3A_159 = arith.constant 0 : i32
    %dma_wait3A_160 = arith.constant 0 : i32
    %dma_wait3A_161 = tpu.memref_slice %arg3[%dma_wait3A_159, %dma_wait3A_160] : memref<4096x128xi32, #tpu.memory_space<hbm>> -> memref<4096x128xi32, #tpu.memory_space<hbm>>
    tpu.wait_indirect_dma semaphore(%arg10 : memref<!tpu.dma_semaphore, #tpu.memory_space<semaphore_mem>>) src(%dma_wait3A_161 : memref<4096x128xi32, #tpu.memory_space<hbm>>) dst(%arg8 : memref<128x128xi32, #tpu.memory_space<vmem>>)
    %add3A_162 = arith.constant 768 : i32
    %add3A_163 = arith.addi %mul3A_2, %add3A_162 : i32
    %dma_start3A_164 = arith.constant 0 : i32
    %dma_start3A_165 = tpu.memref_slice %arg4[%add3A_163, %dma_start3A_164] : memref<65536x128xi32, #tpu.memory_space<hbm>> -> memref<128x128xi32, #tpu.memory_space<hbm>>
    %dma_start3A_166 = arith.constant 0 : i32
    %dma_start3A_167 = tpu.memref_slice %arg4[%add3A_163, %dma_start3A_166] : memref<65536x128xi32, #tpu.memory_space<hbm>> -> memref<128x128xi32, #tpu.memory_space<hbm>>
    tpu.enqueue_dma source(%arg8 : memref<128x128xi32, #tpu.memory_space<vmem>>) target(%dma_start3A_167 : memref<128x128xi32, #tpu.memory_space<hbm>>) target_semaphore(%arg12 : memref<!tpu.dma_semaphore, #tpu.memory_space<semaphore_mem>>)
    %dma_start3A_168 = arith.constant 8 : i32
    %dma_start3A_169 = arith.constant 0 : i32
    %dma_start3A_170 = tpu.memref_slice %arg5[%dma_start3A_168, %dma_start3A_169] : memref<16x128xi32, #tpu.memory_space<vmem>> -> memref<1x128xi32, #tpu.memory_space<vmem>>
    %dma_start3A_171 = tpu.memref_squeeze %dma_start3A_170 : memref<1x128xi32, #tpu.memory_space<vmem>> -> memref<128xi32, #tpu.memory_space<vmem>>
    %dma_start3A_172 = arith.constant 0 : i32
    %dma_start3A_173 = arith.constant 0 : i32
    %dma_start3A_174 = tpu.memref_slice %arg3[%dma_start3A_172, %dma_start3A_173] : memref<4096x128xi32, #tpu.memory_space<hbm>> -> memref<4096x128xi32, #tpu.memory_space<hbm>>
    tpu.enqueue_indirect_dma source(%dma_start3A_174 : memref<4096x128xi32, #tpu.memory_space<hbm>>) target(%arg6 : memref<128x128xi32, #tpu.memory_space<vmem>>) offsets(%dma_start3A_171 : memref<128xi32, #tpu.memory_space<vmem>>) semaphore(%arg10 : memref<!tpu.dma_semaphore, #tpu.memory_space<semaphore_mem>>)
    %dma_wait3A_175 = arith.constant 0 : i32
    %dma_wait3A_176 = tpu.memref_slice %arg4[%add3A_139, %dma_wait3A_175] : memref<65536x128xi32, #tpu.memory_space<hbm>> -> memref<128x128xi32, #tpu.memory_space<hbm>>
    %dma_wait3A_177 = arith.constant 0 : i32
    %dma_wait3A_178 = tpu.memref_slice %arg4[%add3A_139, %dma_wait3A_177] : memref<65536x128xi32, #tpu.memory_space<hbm>> -> memref<128x128xi32, #tpu.memory_space<hbm>>
    tpu.wait_dma2 semaphore(%arg13 : memref<!tpu.dma_semaphore, #tpu.memory_space<semaphore_mem>>) src(%arg7 : memref<128x128xi32, #tpu.memory_space<vmem>>) dst(%dma_wait3A_178 : memref<128x128xi32, #tpu.memory_space<hbm>>)
    %dma_wait3A_179 = arith.constant 7 : i32
    %dma_wait3A_180 = arith.constant 0 : i32
    %dma_wait3A_181 = tpu.memref_slice %arg5[%dma_wait3A_179, %dma_wait3A_180] : memref<16x128xi32, #tpu.memory_space<vmem>> -> memref<1x128xi32, #tpu.memory_space<vmem>>
    %dma_wait3A_182 = tpu.memref_squeeze %dma_wait3A_181 : memref<1x128xi32, #tpu.memory_space<vmem>> -> memref<128xi32, #tpu.memory_space<vmem>>
    %dma_wait3A_183 = arith.constant 0 : i32
    %dma_wait3A_184 = arith.constant 0 : i32
    %dma_wait3A_185 = tpu.memref_slice %arg3[%dma_wait3A_183, %dma_wait3A_184] : memref<4096x128xi32, #tpu.memory_space<hbm>> -> memref<4096x128xi32, #tpu.memory_space<hbm>>
    tpu.wait_indirect_dma semaphore(%arg11 : memref<!tpu.dma_semaphore, #tpu.memory_space<semaphore_mem>>) src(%dma_wait3A_185 : memref<4096x128xi32, #tpu.memory_space<hbm>>) dst(%arg9 : memref<128x128xi32, #tpu.memory_space<vmem>>)
    %add3A_186 = arith.constant 896 : i32
    %add3A_187 = arith.addi %mul3A_2, %add3A_186 : i32
    %dma_start3A_188 = arith.constant 0 : i32
    %dma_start3A_189 = tpu.memref_slice %arg4[%add3A_187, %dma_start3A_188] : memref<65536x128xi32, #tpu.memory_space<hbm>> -> memref<128x128xi32, #tpu.memory_space<hbm>>
    %dma_start3A_190 = arith.constant 0 : i32
    %dma_start3A_191 = tpu.memref_slice %arg4[%add3A_187, %dma_start3A_190] : memref<65536x128xi32, #tpu.memory_space<hbm>> -> memref<128x128xi32, #tpu.memory_space<hbm>>
    tpu.enqueue_dma source(%arg9 : memref<128x128xi32, #tpu.memory_space<vmem>>) target(%dma_start3A_191 : memref<128x128xi32, #tpu.memory_space<hbm>>) target_semaphore(%arg13 : memref<!tpu.dma_semaphore, #tpu.memory_space<semaphore_mem>>)
    %dma_start3A_192 = arith.constant 9 : i32
    %dma_start3A_193 = arith.constant 0 : i32
    %dma_start3A_194 = tpu.memref_slice %arg5[%dma_start3A_192, %dma_start3A_193] : memref<16x128xi32, #tpu.memory_space<vmem>> -> memref<1x128xi32, #tpu.memory_space<vmem>>
    %dma_start3A_195 = tpu.memref_squeeze %dma_start3A_194 : memref<1x128xi32, #tpu.memory_space<vmem>> -> memref<128xi32, #tpu.memory_space<vmem>>
    %dma_start3A_196 = arith.constant 0 : i32
    %dma_start3A_197 = arith.constant 0 : i32
    %dma_start3A_198 = tpu.memref_slice %arg3[%dma_start3A_196, %dma_start3A_197] : memref<4096x128xi32, #tpu.memory_space<hbm>> -> memref<4096x128xi32, #tpu.memory_space<hbm>>
    tpu.enqueue_indirect_dma source(%dma_start3A_198 : memref<4096x128xi32, #tpu.memory_space<hbm>>) target(%arg7 : memref<128x128xi32, #tpu.memory_space<vmem>>) offsets(%dma_start3A_195 : memref<128xi32, #tpu.memory_space<vmem>>) semaphore(%arg11 : memref<!tpu.dma_semaphore, #tpu.memory_space<semaphore_mem>>)
    %dma_wait3A_199 = arith.constant 0 : i32
    %dma_wait3A_200 = tpu.memref_slice %arg4[%add3A_163, %dma_wait3A_199] : memref<65536x128xi32, #tpu.memory_space<hbm>> -> memref<128x128xi32, #tpu.memory_space<hbm>>
    %dma_wait3A_201 = arith.constant 0 : i32
    %dma_wait3A_202 = tpu.memref_slice %arg4[%add3A_163, %dma_wait3A_201] : memref<65536x128xi32, #tpu.memory_space<hbm>> -> memref<128x128xi32, #tpu.memory_space<hbm>>
    tpu.wait_dma2 semaphore(%arg12 : memref<!tpu.dma_semaphore, #tpu.memory_space<semaphore_mem>>) src(%arg8 : memref<128x128xi32, #tpu.memory_space<vmem>>) dst(%dma_wait3A_202 : memref<128x128xi32, #tpu.memory_space<hbm>>)
    %dma_wait3A_203 = arith.constant 8 : i32
    %dma_wait3A_204 = arith.constant 0 : i32
    %dma_wait3A_205 = tpu.memref_slice %arg5[%dma_wait3A_203, %dma_wait3A_204] : memref<16x128xi32, #tpu.memory_space<vmem>> -> memref<1x128xi32, #tpu.memory_space<vmem>>
    %dma_wait3A_206 = tpu.memref_squeeze %dma_wait3A_205 : memref<1x128xi32, #tpu.memory_space<vmem>> -> memref<128xi32, #tpu.memory_space<vmem>>
    %dma_wait3A_207 = arith.constant 0 : i32
    %dma_wait3A_208 = arith.constant 0 : i32
    %dma_wait3A_209 = tpu.memref_slice %arg3[%dma_wait3A_207, %dma_wait3A_208] : memref<4096x128xi32, #tpu.memory_space<hbm>> -> memref<4096x128xi32, #tpu.memory_space<hbm>>
    tpu.wait_indirect_dma semaphore(%arg10 : memref<!tpu.dma_semaphore, #tpu.memory_space<semaphore_mem>>) src(%dma_wait3A_209 : memref<4096x128xi32, #tpu.memory_space<hbm>>) dst(%arg6 : memref<128x128xi32, #tpu.memory_space<vmem>>)
    %add3A_210 = arith.constant 1024 : i32
    %add3A_211 = arith.addi %mul3A_2, %add3A_210 : i32
    %dma_start3A_212 = arith.constant 0 : i32
    %dma_start3A_213 = tpu.memref_slice %arg4[%add3A_211, %dma_start3A_212] : memref<65536x128xi32, #tpu.memory_space<hbm>> -> memref<128x128xi32, #tpu.memory_space<hbm>>
    %dma_start3A_214 = arith.constant 0 : i32
    %dma_start3A_215 = tpu.memref_slice %arg4[%add3A_211, %dma_start3A_214] : memref<65536x128xi32, #tpu.memory_space<hbm>> -> memref<128x128xi32, #tpu.memory_space<hbm>>
    tpu.enqueue_dma source(%arg6 : memref<128x128xi32, #tpu.memory_space<vmem>>) target(%dma_start3A_215 : memref<128x128xi32, #tpu.memory_space<hbm>>) target_semaphore(%arg12 : memref<!tpu.dma_semaphore, #tpu.memory_space<semaphore_mem>>)
    %dma_start3A_216 = arith.constant 10 : i32
    %dma_start3A_217 = arith.constant 0 : i32
    %dma_start3A_218 = tpu.memref_slice %arg5[%dma_start3A_216, %dma_start3A_217] : memref<16x128xi32, #tpu.memory_space<vmem>> -> memref<1x128xi32, #tpu.memory_space<vmem>>
    %dma_start3A_219 = tpu.memref_squeeze %dma_start3A_218 : memref<1x128xi32, #tpu.memory_space<vmem>> -> memref<128xi32, #tpu.memory_space<vmem>>
    %dma_start3A_220 = arith.constant 0 : i32
    %dma_start3A_221 = arith.constant 0 : i32
    %dma_start3A_222 = tpu.memref_slice %arg3[%dma_start3A_220, %dma_start3A_221] : memref<4096x128xi32, #tpu.memory_space<hbm>> -> memref<4096x128xi32, #tpu.memory_space<hbm>>
    tpu.enqueue_indirect_dma source(%dma_start3A_222 : memref<4096x128xi32, #tpu.memory_space<hbm>>) target(%arg8 : memref<128x128xi32, #tpu.memory_space<vmem>>) offsets(%dma_start3A_219 : memref<128xi32, #tpu.memory_space<vmem>>) semaphore(%arg10 : memref<!tpu.dma_semaphore, #tpu.memory_space<semaphore_mem>>)
    %dma_wait3A_223 = arith.constant 0 : i32
    %dma_wait3A_224 = tpu.memref_slice %arg4[%add3A_187, %dma_wait3A_223] : memref<65536x128xi32, #tpu.memory_space<hbm>> -> memref<128x128xi32, #tpu.memory_space<hbm>>
    %dma_wait3A_225 = arith.constant 0 : i32
    %dma_wait3A_226 = tpu.memref_slice %arg4[%add3A_187, %dma_wait3A_225] : memref<65536x128xi32, #tpu.memory_space<hbm>> -> memref<128x128xi32, #tpu.memory_space<hbm>>
    tpu.wait_dma2 semaphore(%arg13 : memref<!tpu.dma_semaphore, #tpu.memory_space<semaphore_mem>>) src(%arg9 : memref<128x128xi32, #tpu.memory_space<vmem>>) dst(%dma_wait3A_226 : memref<128x128xi32, #tpu.memory_space<hbm>>)
    %dma_wait3A_227 = arith.constant 9 : i32
    %dma_wait3A_228 = arith.constant 0 : i32
    %dma_wait3A_229 = tpu.memref_slice %arg5[%dma_wait3A_227, %dma_wait3A_228] : memref<16x128xi32, #tpu.memory_space<vmem>> -> memref<1x128xi32, #tpu.memory_space<vmem>>
    %dma_wait3A_230 = tpu.memref_squeeze %dma_wait3A_229 : memref<1x128xi32, #tpu.memory_space<vmem>> -> memref<128xi32, #tpu.memory_space<vmem>>
    %dma_wait3A_231 = arith.constant 0 : i32
    %dma_wait3A_232 = arith.constant 0 : i32
    %dma_wait3A_233 = tpu.memref_slice %arg3[%dma_wait3A_231, %dma_wait3A_232] : memref<4096x128xi32, #tpu.memory_space<hbm>> -> memref<4096x128xi32, #tpu.memory_space<hbm>>
    tpu.wait_indirect_dma semaphore(%arg11 : memref<!tpu.dma_semaphore, #tpu.memory_space<semaphore_mem>>) src(%dma_wait3A_233 : memref<4096x128xi32, #tpu.memory_space<hbm>>) dst(%arg7 : memref<128x128xi32, #tpu.memory_space<vmem>>)
    %add3A_234 = arith.constant 1152 : i32
    %add3A_235 = arith.addi %mul3A_2, %add3A_234 : i32
    %dma_start3A_236 = arith.constant 0 : i32
    %dma_start3A_237 = tpu.memref_slice %arg4[%add3A_235, %dma_start3A_236] : memref<65536x128xi32, #tpu.memory_space<hbm>> -> memref<128x128xi32, #tpu.memory_space<hbm>>
    %dma_start3A_238 = arith.constant 0 : i32
    %dma_start3A_239 = tpu.memref_slice %arg4[%add3A_235, %dma_start3A_238] : memref<65536x128xi32, #tpu.memory_space<hbm>> -> memref<128x128xi32, #tpu.memory_space<hbm>>
    tpu.enqueue_dma source(%arg7 : memref<128x128xi32, #tpu.memory_space<vmem>>) target(%dma_start3A_239 : memref<128x128xi32, #tpu.memory_space<hbm>>) target_semaphore(%arg13 : memref<!tpu.dma_semaphore, #tpu.memory_space<semaphore_mem>>)
    %dma_start3A_240 = arith.constant 11 : i32
    %dma_start3A_241 = arith.constant 0 : i32
    %dma_start3A_242 = tpu.memref_slice %arg5[%dma_start3A_240, %dma_start3A_241] : memref<16x128xi32, #tpu.memory_space<vmem>> -> memref<1x128xi32, #tpu.memory_space<vmem>>
    %dma_start3A_243 = tpu.memref_squeeze %dma_start3A_242 : memref<1x128xi32, #tpu.memory_space<vmem>> -> memref<128xi32, #tpu.memory_space<vmem>>
    %dma_start3A_244 = arith.constant 0 : i32
    %dma_start3A_245 = arith.constant 0 : i32
    %dma_start3A_246 = tpu.memref_slice %arg3[%dma_start3A_244, %dma_start3A_245] : memref<4096x128xi32, #tpu.memory_space<hbm>> -> memref<4096x128xi32, #tpu.memory_space<hbm>>
    tpu.enqueue_indirect_dma source(%dma_start3A_246 : memref<4096x128xi32, #tpu.memory_space<hbm>>) target(%arg9 : memref<128x128xi32, #tpu.memory_space<vmem>>) offsets(%dma_start3A_243 : memref<128xi32, #tpu.memory_space<vmem>>) semaphore(%arg11 : memref<!tpu.dma_semaphore, #tpu.memory_space<semaphore_mem>>)
    %dma_wait3A_247 = arith.constant 0 : i32
    %dma_wait3A_248 = tpu.memref_slice %arg4[%add3A_211, %dma_wait3A_247] : memref<65536x128xi32, #tpu.memory_space<hbm>> -> memref<128x128xi32, #tpu.memory_space<hbm>>
    %dma_wait3A_249 = arith.constant 0 : i32
    %dma_wait3A_250 = tpu.memref_slice %arg4[%add3A_211, %dma_wait3A_249] : memref<65536x128xi32, #tpu.memory_space<hbm>> -> memref<128x128xi32, #tpu.memory_space<hbm>>
    tpu.wait_dma2 semaphore(%arg12 : memref<!tpu.dma_semaphore, #tpu.memory_space<semaphore_mem>>) src(%arg6 : memref<128x128xi32, #tpu.memory_space<vmem>>) dst(%dma_wait3A_250 : memref<128x128xi32, #tpu.memory_space<hbm>>)
    %dma_wait3A_251 = arith.constant 10 : i32
    %dma_wait3A_252 = arith.constant 0 : i32
    %dma_wait3A_253 = tpu.memref_slice %arg5[%dma_wait3A_251, %dma_wait3A_252] : memref<16x128xi32, #tpu.memory_space<vmem>> -> memref<1x128xi32, #tpu.memory_space<vmem>>
    %dma_wait3A_254 = tpu.memref_squeeze %dma_wait3A_253 : memref<1x128xi32, #tpu.memory_space<vmem>> -> memref<128xi32, #tpu.memory_space<vmem>>
    %dma_wait3A_255 = arith.constant 0 : i32
    %dma_wait3A_256 = arith.constant 0 : i32
    %dma_wait3A_257 = tpu.memref_slice %arg3[%dma_wait3A_255, %dma_wait3A_256] : memref<4096x128xi32, #tpu.memory_space<hbm>> -> memref<4096x128xi32, #tpu.memory_space<hbm>>
    tpu.wait_indirect_dma semaphore(%arg10 : memref<!tpu.dma_semaphore, #tpu.memory_space<semaphore_mem>>) src(%dma_wait3A_257 : memref<4096x128xi32, #tpu.memory_space<hbm>>) dst(%arg8 : memref<128x128xi32, #tpu.memory_space<vmem>>)
    %add3A_258 = arith.constant 1280 : i32
    %add3A_259 = arith.addi %mul3A_2, %add3A_258 : i32
    %dma_start3A_260 = arith.constant 0 : i32
    %dma_start3A_261 = tpu.memref_slice %arg4[%add3A_259, %dma_start3A_260] : memref<65536x128xi32, #tpu.memory_space<hbm>> -> memref<128x128xi32, #tpu.memory_space<hbm>>
    %dma_start3A_262 = arith.constant 0 : i32
    %dma_start3A_263 = tpu.memref_slice %arg4[%add3A_259, %dma_start3A_262] : memref<65536x128xi32, #tpu.memory_space<hbm>> -> memref<128x128xi32, #tpu.memory_space<hbm>>
    tpu.enqueue_dma source(%arg8 : memref<128x128xi32, #tpu.memory_space<vmem>>) target(%dma_start3A_263 : memref<128x128xi32, #tpu.memory_space<hbm>>) target_semaphore(%arg12 : memref<!tpu.dma_semaphore, #tpu.memory_space<semaphore_mem>>)
    %dma_start3A_264 = arith.constant 12 : i32
    %dma_start3A_265 = arith.constant 0 : i32
    %dma_start3A_266 = tpu.memref_slice %arg5[%dma_start3A_264, %dma_start3A_265] : memref<16x128xi32, #tpu.memory_space<vmem>> -> memref<1x128xi32, #tpu.memory_space<vmem>>
    %dma_start3A_267 = tpu.memref_squeeze %dma_start3A_266 : memref<1x128xi32, #tpu.memory_space<vmem>> -> memref<128xi32, #tpu.memory_space<vmem>>
    %dma_start3A_268 = arith.constant 0 : i32
    %dma_start3A_269 = arith.constant 0 : i32
    %dma_start3A_270 = tpu.memref_slice %arg3[%dma_start3A_268, %dma_start3A_269] : memref<4096x128xi32, #tpu.memory_space<hbm>> -> memref<4096x128xi32, #tpu.memory_space<hbm>>
    tpu.enqueue_indirect_dma source(%dma_start3A_270 : memref<4096x128xi32, #tpu.memory_space<hbm>>) target(%arg6 : memref<128x128xi32, #tpu.memory_space<vmem>>) offsets(%dma_start3A_267 : memref<128xi32, #tpu.memory_space<vmem>>) semaphore(%arg10 : memref<!tpu.dma_semaphore, #tpu.memory_space<semaphore_mem>>)
    %dma_wait3A_271 = arith.constant 0 : i32
    %dma_wait3A_272 = tpu.memref_slice %arg4[%add3A_235, %dma_wait3A_271] : memref<65536x128xi32, #tpu.memory_space<hbm>> -> memref<128x128xi32, #tpu.memory_space<hbm>>
    %dma_wait3A_273 = arith.constant 0 : i32
    %dma_wait3A_274 = tpu.memref_slice %arg4[%add3A_235, %dma_wait3A_273] : memref<65536x128xi32, #tpu.memory_space<hbm>> -> memref<128x128xi32, #tpu.memory_space<hbm>>
    tpu.wait_dma2 semaphore(%arg13 : memref<!tpu.dma_semaphore, #tpu.memory_space<semaphore_mem>>) src(%arg7 : memref<128x128xi32, #tpu.memory_space<vmem>>) dst(%dma_wait3A_274 : memref<128x128xi32, #tpu.memory_space<hbm>>)
    %dma_wait3A_275 = arith.constant 11 : i32
    %dma_wait3A_276 = arith.constant 0 : i32
    %dma_wait3A_277 = tpu.memref_slice %arg5[%dma_wait3A_275, %dma_wait3A_276] : memref<16x128xi32, #tpu.memory_space<vmem>> -> memref<1x128xi32, #tpu.memory_space<vmem>>
    %dma_wait3A_278 = tpu.memref_squeeze %dma_wait3A_277 : memref<1x128xi32, #tpu.memory_space<vmem>> -> memref<128xi32, #tpu.memory_space<vmem>>
    %dma_wait3A_279 = arith.constant 0 : i32
    %dma_wait3A_280 = arith.constant 0 : i32
    %dma_wait3A_281 = tpu.memref_slice %arg3[%dma_wait3A_279, %dma_wait3A_280] : memref<4096x128xi32, #tpu.memory_space<hbm>> -> memref<4096x128xi32, #tpu.memory_space<hbm>>
    tpu.wait_indirect_dma semaphore(%arg11 : memref<!tpu.dma_semaphore, #tpu.memory_space<semaphore_mem>>) src(%dma_wait3A_281 : memref<4096x128xi32, #tpu.memory_space<hbm>>) dst(%arg9 : memref<128x128xi32, #tpu.memory_space<vmem>>)
    %add3A_282 = arith.constant 1408 : i32
    %add3A_283 = arith.addi %mul3A_2, %add3A_282 : i32
    %dma_start3A_284 = arith.constant 0 : i32
    %dma_start3A_285 = tpu.memref_slice %arg4[%add3A_283, %dma_start3A_284] : memref<65536x128xi32, #tpu.memory_space<hbm>> -> memref<128x128xi32, #tpu.memory_space<hbm>>
    %dma_start3A_286 = arith.constant 0 : i32
    %dma_start3A_287 = tpu.memref_slice %arg4[%add3A_283, %dma_start3A_286] : memref<65536x128xi32, #tpu.memory_space<hbm>> -> memref<128x128xi32, #tpu.memory_space<hbm>>
    tpu.enqueue_dma source(%arg9 : memref<128x128xi32, #tpu.memory_space<vmem>>) target(%dma_start3A_287 : memref<128x128xi32, #tpu.memory_space<hbm>>) target_semaphore(%arg13 : memref<!tpu.dma_semaphore, #tpu.memory_space<semaphore_mem>>)
    %dma_start3A_288 = arith.constant 13 : i32
    %dma_start3A_289 = arith.constant 0 : i32
    %dma_start3A_290 = tpu.memref_slice %arg5[%dma_start3A_288, %dma_start3A_289] : memref<16x128xi32, #tpu.memory_space<vmem>> -> memref<1x128xi32, #tpu.memory_space<vmem>>
    %dma_start3A_291 = tpu.memref_squeeze %dma_start3A_290 : memref<1x128xi32, #tpu.memory_space<vmem>> -> memref<128xi32, #tpu.memory_space<vmem>>
    %dma_start3A_292 = arith.constant 0 : i32
    %dma_start3A_293 = arith.constant 0 : i32
    %dma_start3A_294 = tpu.memref_slice %arg3[%dma_start3A_292, %dma_start3A_293] : memref<4096x128xi32, #tpu.memory_space<hbm>> -> memref<4096x128xi32, #tpu.memory_space<hbm>>
    tpu.enqueue_indirect_dma source(%dma_start3A_294 : memref<4096x128xi32, #tpu.memory_space<hbm>>) target(%arg7 : memref<128x128xi32, #tpu.memory_space<vmem>>) offsets(%dma_start3A_291 : memref<128xi32, #tpu.memory_space<vmem>>) semaphore(%arg11 : memref<!tpu.dma_semaphore, #tpu.memory_space<semaphore_mem>>)
    %dma_wait3A_295 = arith.constant 0 : i32
    %dma_wait3A_296 = tpu.memref_slice %arg4[%add3A_259, %dma_wait3A_295] : memref<65536x128xi32, #tpu.memory_space<hbm>> -> memref<128x128xi32, #tpu.memory_space<hbm>>
    %dma_wait3A_297 = arith.constant 0 : i32
    %dma_wait3A_298 = tpu.memref_slice %arg4[%add3A_259, %dma_wait3A_297] : memref<65536x128xi32, #tpu.memory_space<hbm>> -> memref<128x128xi32, #tpu.memory_space<hbm>>
    tpu.wait_dma2 semaphore(%arg12 : memref<!tpu.dma_semaphore, #tpu.memory_space<semaphore_mem>>) src(%arg8 : memref<128x128xi32, #tpu.memory_space<vmem>>) dst(%dma_wait3A_298 : memref<128x128xi32, #tpu.memory_space<hbm>>)
    %dma_wait3A_299 = arith.constant 12 : i32
    %dma_wait3A_300 = arith.constant 0 : i32
    %dma_wait3A_301 = tpu.memref_slice %arg5[%dma_wait3A_299, %dma_wait3A_300] : memref<16x128xi32, #tpu.memory_space<vmem>> -> memref<1x128xi32, #tpu.memory_space<vmem>>
    %dma_wait3A_302 = tpu.memref_squeeze %dma_wait3A_301 : memref<1x128xi32, #tpu.memory_space<vmem>> -> memref<128xi32, #tpu.memory_space<vmem>>
    %dma_wait3A_303 = arith.constant 0 : i32
    %dma_wait3A_304 = arith.constant 0 : i32
    %dma_wait3A_305 = tpu.memref_slice %arg3[%dma_wait3A_303, %dma_wait3A_304] : memref<4096x128xi32, #tpu.memory_space<hbm>> -> memref<4096x128xi32, #tpu.memory_space<hbm>>
    tpu.wait_indirect_dma semaphore(%arg10 : memref<!tpu.dma_semaphore, #tpu.memory_space<semaphore_mem>>) src(%dma_wait3A_305 : memref<4096x128xi32, #tpu.memory_space<hbm>>) dst(%arg6 : memref<128x128xi32, #tpu.memory_space<vmem>>)
    %add3A_306 = arith.constant 1536 : i32
    %add3A_307 = arith.addi %mul3A_2, %add3A_306 : i32
    %dma_start3A_308 = arith.constant 0 : i32
    %dma_start3A_309 = tpu.memref_slice %arg4[%add3A_307, %dma_start3A_308] : memref<65536x128xi32, #tpu.memory_space<hbm>> -> memref<128x128xi32, #tpu.memory_space<hbm>>
    %dma_start3A_310 = arith.constant 0 : i32
    %dma_start3A_311 = tpu.memref_slice %arg4[%add3A_307, %dma_start3A_310] : memref<65536x128xi32, #tpu.memory_space<hbm>> -> memref<128x128xi32, #tpu.memory_space<hbm>>
    tpu.enqueue_dma source(%arg6 : memref<128x128xi32, #tpu.memory_space<vmem>>) target(%dma_start3A_311 : memref<128x128xi32, #tpu.memory_space<hbm>>) target_semaphore(%arg12 : memref<!tpu.dma_semaphore, #tpu.memory_space<semaphore_mem>>)
    %dma_start3A_312 = arith.constant 14 : i32
    %dma_start3A_313 = arith.constant 0 : i32
    %dma_start3A_314 = tpu.memref_slice %arg5[%dma_start3A_312, %dma_start3A_313] : memref<16x128xi32, #tpu.memory_space<vmem>> -> memref<1x128xi32, #tpu.memory_space<vmem>>
    %dma_start3A_315 = tpu.memref_squeeze %dma_start3A_314 : memref<1x128xi32, #tpu.memory_space<vmem>> -> memref<128xi32, #tpu.memory_space<vmem>>
    %dma_start3A_316 = arith.constant 0 : i32
    %dma_start3A_317 = arith.constant 0 : i32
    %dma_start3A_318 = tpu.memref_slice %arg3[%dma_start3A_316, %dma_start3A_317] : memref<4096x128xi32, #tpu.memory_space<hbm>> -> memref<4096x128xi32, #tpu.memory_space<hbm>>
    tpu.enqueue_indirect_dma source(%dma_start3A_318 : memref<4096x128xi32, #tpu.memory_space<hbm>>) target(%arg8 : memref<128x128xi32, #tpu.memory_space<vmem>>) offsets(%dma_start3A_315 : memref<128xi32, #tpu.memory_space<vmem>>) semaphore(%arg10 : memref<!tpu.dma_semaphore, #tpu.memory_space<semaphore_mem>>)
    %dma_wait3A_319 = arith.constant 0 : i32
    %dma_wait3A_320 = tpu.memref_slice %arg4[%add3A_283, %dma_wait3A_319] : memref<65536x128xi32, #tpu.memory_space<hbm>> -> memref<128x128xi32, #tpu.memory_space<hbm>>
    %dma_wait3A_321 = arith.constant 0 : i32
    %dma_wait3A_322 = tpu.memref_slice %arg4[%add3A_283, %dma_wait3A_321] : memref<65536x128xi32, #tpu.memory_space<hbm>> -> memref<128x128xi32, #tpu.memory_space<hbm>>
    tpu.wait_dma2 semaphore(%arg13 : memref<!tpu.dma_semaphore, #tpu.memory_space<semaphore_mem>>) src(%arg9 : memref<128x128xi32, #tpu.memory_space<vmem>>) dst(%dma_wait3A_322 : memref<128x128xi32, #tpu.memory_space<hbm>>)
    %dma_wait3A_323 = arith.constant 13 : i32
    %dma_wait3A_324 = arith.constant 0 : i32
    %dma_wait3A_325 = tpu.memref_slice %arg5[%dma_wait3A_323, %dma_wait3A_324] : memref<16x128xi32, #tpu.memory_space<vmem>> -> memref<1x128xi32, #tpu.memory_space<vmem>>
    %dma_wait3A_326 = tpu.memref_squeeze %dma_wait3A_325 : memref<1x128xi32, #tpu.memory_space<vmem>> -> memref<128xi32, #tpu.memory_space<vmem>>
    %dma_wait3A_327 = arith.constant 0 : i32
    %dma_wait3A_328 = arith.constant 0 : i32
    %dma_wait3A_329 = tpu.memref_slice %arg3[%dma_wait3A_327, %dma_wait3A_328] : memref<4096x128xi32, #tpu.memory_space<hbm>> -> memref<4096x128xi32, #tpu.memory_space<hbm>>
    tpu.wait_indirect_dma semaphore(%arg11 : memref<!tpu.dma_semaphore, #tpu.memory_space<semaphore_mem>>) src(%dma_wait3A_329 : memref<4096x128xi32, #tpu.memory_space<hbm>>) dst(%arg7 : memref<128x128xi32, #tpu.memory_space<vmem>>)
    %add3A_330 = arith.constant 1664 : i32
    %add3A_331 = arith.addi %mul3A_2, %add3A_330 : i32
    %dma_start3A_332 = arith.constant 0 : i32
    %dma_start3A_333 = tpu.memref_slice %arg4[%add3A_331, %dma_start3A_332] : memref<65536x128xi32, #tpu.memory_space<hbm>> -> memref<128x128xi32, #tpu.memory_space<hbm>>
    %dma_start3A_334 = arith.constant 0 : i32
    %dma_start3A_335 = tpu.memref_slice %arg4[%add3A_331, %dma_start3A_334] : memref<65536x128xi32, #tpu.memory_space<hbm>> -> memref<128x128xi32, #tpu.memory_space<hbm>>
    tpu.enqueue_dma source(%arg7 : memref<128x128xi32, #tpu.memory_space<vmem>>) target(%dma_start3A_335 : memref<128x128xi32, #tpu.memory_space<hbm>>) target_semaphore(%arg13 : memref<!tpu.dma_semaphore, #tpu.memory_space<semaphore_mem>>)
    %dma_start3A_336 = arith.constant 15 : i32
    %dma_start3A_337 = arith.constant 0 : i32
    %dma_start3A_338 = tpu.memref_slice %arg5[%dma_start3A_336, %dma_start3A_337] : memref<16x128xi32, #tpu.memory_space<vmem>> -> memref<1x128xi32, #tpu.memory_space<vmem>>
    %dma_start3A_339 = tpu.memref_squeeze %dma_start3A_338 : memref<1x128xi32, #tpu.memory_space<vmem>> -> memref<128xi32, #tpu.memory_space<vmem>>
    %dma_start3A_340 = arith.constant 0 : i32
    %dma_start3A_341 = arith.constant 0 : i32
    %dma_start3A_342 = tpu.memref_slice %arg3[%dma_start3A_340, %dma_start3A_341] : memref<4096x128xi32, #tpu.memory_space<hbm>> -> memref<4096x128xi32, #tpu.memory_space<hbm>>
    tpu.enqueue_indirect_dma source(%dma_start3A_342 : memref<4096x128xi32, #tpu.memory_space<hbm>>) target(%arg9 : memref<128x128xi32, #tpu.memory_space<vmem>>) offsets(%dma_start3A_339 : memref<128xi32, #tpu.memory_space<vmem>>) semaphore(%arg11 : memref<!tpu.dma_semaphore, #tpu.memory_space<semaphore_mem>>)
    %dma_wait3A_343 = arith.constant 0 : i32
    %dma_wait3A_344 = tpu.memref_slice %arg4[%add3A_307, %dma_wait3A_343] : memref<65536x128xi32, #tpu.memory_space<hbm>> -> memref<128x128xi32, #tpu.memory_space<hbm>>
    %dma_wait3A_345 = arith.constant 0 : i32
    %dma_wait3A_346 = tpu.memref_slice %arg4[%add3A_307, %dma_wait3A_345] : memref<65536x128xi32, #tpu.memory_space<hbm>> -> memref<128x128xi32, #tpu.memory_space<hbm>>
    tpu.wait_dma2 semaphore(%arg12 : memref<!tpu.dma_semaphore, #tpu.memory_space<semaphore_mem>>) src(%arg6 : memref<128x128xi32, #tpu.memory_space<vmem>>) dst(%dma_wait3A_346 : memref<128x128xi32, #tpu.memory_space<hbm>>)
    %dma_wait3A_347 = arith.constant 14 : i32
    %dma_wait3A_348 = arith.constant 0 : i32
    %dma_wait3A_349 = tpu.memref_slice %arg5[%dma_wait3A_347, %dma_wait3A_348] : memref<16x128xi32, #tpu.memory_space<vmem>> -> memref<1x128xi32, #tpu.memory_space<vmem>>
    %dma_wait3A_350 = tpu.memref_squeeze %dma_wait3A_349 : memref<1x128xi32, #tpu.memory_space<vmem>> -> memref<128xi32, #tpu.memory_space<vmem>>
    %dma_wait3A_351 = arith.constant 0 : i32
    %dma_wait3A_352 = arith.constant 0 : i32
    %dma_wait3A_353 = tpu.memref_slice %arg3[%dma_wait3A_351, %dma_wait3A_352] : memref<4096x128xi32, #tpu.memory_space<hbm>> -> memref<4096x128xi32, #tpu.memory_space<hbm>>
    tpu.wait_indirect_dma semaphore(%arg10 : memref<!tpu.dma_semaphore, #tpu.memory_space<semaphore_mem>>) src(%dma_wait3A_353 : memref<4096x128xi32, #tpu.memory_space<hbm>>) dst(%arg8 : memref<128x128xi32, #tpu.memory_space<vmem>>)
    %add3A_354 = arith.constant 1792 : i32
    %add3A_355 = arith.addi %mul3A_2, %add3A_354 : i32
    %dma_start3A_356 = arith.constant 0 : i32
    %dma_start3A_357 = tpu.memref_slice %arg4[%add3A_355, %dma_start3A_356] : memref<65536x128xi32, #tpu.memory_space<hbm>> -> memref<128x128xi32, #tpu.memory_space<hbm>>
    %dma_start3A_358 = arith.constant 0 : i32
    %dma_start3A_359 = tpu.memref_slice %arg4[%add3A_355, %dma_start3A_358] : memref<65536x128xi32, #tpu.memory_space<hbm>> -> memref<128x128xi32, #tpu.memory_space<hbm>>
    tpu.enqueue_dma source(%arg8 : memref<128x128xi32, #tpu.memory_space<vmem>>) target(%dma_start3A_359 : memref<128x128xi32, #tpu.memory_space<hbm>>) target_semaphore(%arg12 : memref<!tpu.dma_semaphore, #tpu.memory_space<semaphore_mem>>)
    %dma_wait3A_360 = arith.constant 0 : i32
    %dma_wait3A_361 = tpu.memref_slice %arg4[%add3A_331, %dma_wait3A_360] : memref<65536x128xi32, #tpu.memory_space<hbm>> -> memref<128x128xi32, #tpu.memory_space<hbm>>
    %dma_wait3A_362 = arith.constant 0 : i32
    %dma_wait3A_363 = tpu.memref_slice %arg4[%add3A_331, %dma_wait3A_362] : memref<65536x128xi32, #tpu.memory_space<hbm>> -> memref<128x128xi32, #tpu.memory_space<hbm>>
    tpu.wait_dma2 semaphore(%arg13 : memref<!tpu.dma_semaphore, #tpu.memory_space<semaphore_mem>>) src(%arg7 : memref<128x128xi32, #tpu.memory_space<vmem>>) dst(%dma_wait3A_363 : memref<128x128xi32, #tpu.memory_space<hbm>>)
    %dma_wait3A_364 = arith.constant 15 : i32
    %dma_wait3A_365 = arith.constant 0 : i32
    %dma_wait3A_366 = tpu.memref_slice %arg5[%dma_wait3A_364, %dma_wait3A_365] : memref<16x128xi32, #tpu.memory_space<vmem>> -> memref<1x128xi32, #tpu.memory_space<vmem>>
    %dma_wait3A_367 = tpu.memref_squeeze %dma_wait3A_366 : memref<1x128xi32, #tpu.memory_space<vmem>> -> memref<128xi32, #tpu.memory_space<vmem>>
    %dma_wait3A_368 = arith.constant 0 : i32
    %dma_wait3A_369 = arith.constant 0 : i32
    %dma_wait3A_370 = tpu.memref_slice %arg3[%dma_wait3A_368, %dma_wait3A_369] : memref<4096x128xi32, #tpu.memory_space<hbm>> -> memref<4096x128xi32, #tpu.memory_space<hbm>>
    tpu.wait_indirect_dma semaphore(%arg11 : memref<!tpu.dma_semaphore, #tpu.memory_space<semaphore_mem>>) src(%dma_wait3A_370 : memref<4096x128xi32, #tpu.memory_space<hbm>>) dst(%arg9 : memref<128x128xi32, #tpu.memory_space<vmem>>)
    %add3A_371 = arith.constant 1920 : i32
    %add3A_372 = arith.addi %mul3A_2, %add3A_371 : i32
    %dma_start3A_373 = arith.constant 0 : i32
    %dma_start3A_374 = tpu.memref_slice %arg4[%add3A_372, %dma_start3A_373] : memref<65536x128xi32, #tpu.memory_space<hbm>> -> memref<128x128xi32, #tpu.memory_space<hbm>>
    %dma_start3A_375 = arith.constant 0 : i32
    %dma_start3A_376 = tpu.memref_slice %arg4[%add3A_372, %dma_start3A_375] : memref<65536x128xi32, #tpu.memory_space<hbm>> -> memref<128x128xi32, #tpu.memory_space<hbm>>
    tpu.enqueue_dma source(%arg9 : memref<128x128xi32, #tpu.memory_space<vmem>>) target(%dma_start3A_376 : memref<128x128xi32, #tpu.memory_space<hbm>>) target_semaphore(%arg13 : memref<!tpu.dma_semaphore, #tpu.memory_space<semaphore_mem>>)
    %dma_wait3A_377 = arith.constant 0 : i32
    %dma_wait3A_378 = tpu.memref_slice %arg4[%add3A_355, %dma_wait3A_377] : memref<65536x128xi32, #tpu.memory_space<hbm>> -> memref<128x128xi32, #tpu.memory_space<hbm>>
    %dma_wait3A_379 = arith.constant 0 : i32
    %dma_wait3A_380 = tpu.memref_slice %arg4[%add3A_355, %dma_wait3A_379] : memref<65536x128xi32, #tpu.memory_space<hbm>> -> memref<128x128xi32, #tpu.memory_space<hbm>>
    tpu.wait_dma2 semaphore(%arg12 : memref<!tpu.dma_semaphore, #tpu.memory_space<semaphore_mem>>) src(%arg8 : memref<128x128xi32, #tpu.memory_space<vmem>>) dst(%dma_wait3A_380 : memref<128x128xi32, #tpu.memory_space<hbm>>)
    %dma_wait3A_381 = arith.constant 0 : i32
    %dma_wait3A_382 = tpu.memref_slice %arg4[%add3A_372, %dma_wait3A_381] : memref<65536x128xi32, #tpu.memory_space<hbm>> -> memref<128x128xi32, #tpu.memory_space<hbm>>
    %dma_wait3A_383 = arith.constant 0 : i32
    %dma_wait3A_384 = tpu.memref_slice %arg4[%add3A_372, %dma_wait3A_383] : memref<65536x128xi32, #tpu.memory_space<hbm>> -> memref<128x128xi32, #tpu.memory_space<hbm>>
    tpu.wait_dma2 semaphore(%arg13 : memref<!tpu.dma_semaphore, #tpu.memory_space<semaphore_mem>>) src(%arg9 : memref<128x128xi32, #tpu.memory_space<vmem>>) dst(%dma_wait3A_384 : memref<128x128xi32, #tpu.memory_space<hbm>>)
    return
  }
}

module attributes {stable_mosaic.version = 14 : i64} {
  func.func @_stage_c_body(%arg0: i32, %arg1: i32, %arg2: memref<1x8192x128xi32, #tpu.memory_space<vmem>>, %arg3: memref<1x512x256xf32, #tpu.memory_space<vmem>>, %arg4: memref<1x1x256xf32, #tpu.memory_space<vmem>>, %arg5: memref<1x1x256xf32, #tpu.memory_space<vmem>>) attributes {dimension_semantics = [#tpu.dimension_semantics<arbitrary>, #tpu.dimension_semantics<arbitrary>], iteration_bounds = array<i64: 4, 2>, scalar_prefetch = 0 : i64, scratch_operands = 0 : i64, tpu.core_type = #tpu.core_type<tc>, window_params = [{transform_indices = @transform_0, window_bounds = array<i64: 1, 8192, 128>}, {transform_indices = @transform_1, window_bounds = array<i64: 1, 512, 256>}, {transform_indices = @transform_2, window_bounds = array<i64: 1, 1, 256>}, {transform_indices = @transform_3, window_bounds = array<i64: 1, 1, 256>}]} {
    %get3A = arith.constant 0 : index
    %get3A_0 = arith.constant 0 : index
    %get3A_1 = arith.constant 0 : index
    %get3A_2 = vector.load %arg2[%get3A, %get3A_0, %get3A_1] : memref<1x8192x128xi32, #tpu.memory_space<vmem>>, vector<1x8192x128xi32>
    %get3A_3 = vector.shape_cast %get3A_2 : vector<1x8192x128xi32> to vector<8192x128xi32>
    %bitcast_convert_type3A = tpu.bitcast %get3A_3 : vector<8192x128xi32> -> vector<8192x128xi32>
    %shift_left3A = arith.constant 16 : i32
    %shift_left3A_4 = vector.broadcast %shift_left3A : i32 to vector<8192x128xi32>
    %shift_left3A_5 = arith.shli %bitcast_convert_type3A, %shift_left3A_4 : vector<8192x128xi32>
    %bitcast_convert_type3A_6 = tpu.bitcast %shift_left3A_5 : vector<8192x128xi32> -> vector<8192x128xf32>
    %and3A = arith.constant -65536 : i32
    %and3A_7 = vector.broadcast %and3A : i32 to vector<8192x128xi32>
    %and3A_8 = arith.andi %bitcast_convert_type3A, %and3A_7 : vector<8192x128xi32>
    %bitcast_convert_type3A_9 = tpu.bitcast %and3A_8 : vector<8192x128xi32> -> vector<8192x128xf32>
    %concatenate3A = tpu.concatenate %bitcast_convert_type3A_6, %bitcast_convert_type3A_9 in 1 : vector<8192x128xf32>, vector<8192x128xf32> -> vector<8192x256xf32>
    %reshape3A = vector.shape_cast %concatenate3A : vector<8192x256xf32> to vector<512x16x256xf32>
    %get3A_10 = arith.constant 0 : index
    %get3A_11 = arith.constant 0 : index
    %get3A_12 = arith.constant 0 : index
    %get3A_13 = vector.load %arg3[%get3A_10, %get3A_11, %get3A_12] : memref<1x512x256xf32, #tpu.memory_space<vmem>>, vector<1x512x256xf32>
    %get3A_14 = vector.shape_cast %get3A_13 : vector<1x512x256xf32> to vector<512x256xf32>
    %broadcast_in_dim3A = vector.shape_cast %get3A_14 : vector<512x256xf32> to vector<512x1x256xf32>
    %add3A = vector.broadcast %broadcast_in_dim3A : vector<512x1x256xf32> to vector<512x16x256xf32>
    %add3A_15 = arith.addf %reshape3A, %add3A : vector<512x16x256xf32>
    %reduce_sum3A = arith.constant dense<0.000000e+00> : vector<256xf32>
    %reduce_sum3A_16 = vector.multi_reduction <add>, %add3A_15, %reduce_sum3A [0, 1] : vector<512x16x256xf32> to vector<256xf32>
    %mul3A = arith.mulf %add3A_15, %add3A_15 : vector<512x16x256xf32>
    %reduce_sum3A_17 = arith.constant dense<0.000000e+00> : vector<256xf32>
    %reduce_sum3A_18 = vector.multi_reduction <add>, %mul3A, %reduce_sum3A_17 [0, 1] : vector<512x16x256xf32> to vector<256xf32>
    %eq3A = arith.constant 0 : i32
    %eq3A_19 = arith.cmpi eq, %arg1, %eq3A : i32
    %convert_element_type3A = arith.extui %eq3A_19 : i1 to i32
    %cond3A = arith.constant 0 : i32
    %cond3A_20 = arith.cmpi ne, %convert_element_type3A, %cond3A : i32
    scf.if %cond3A_20 {
      %swap3A = arith.constant 0 : index
      %swap3A_25 = arith.constant 0 : index
      %swap3A_26 = arith.constant 0 : index
      %swap3A_27 = vector.load %arg4[%swap3A, %swap3A_25, %swap3A_26] : memref<1x1x256xf32, #tpu.memory_space<vmem>>, vector<1x1x256xf32>
      %swap3A_28 = vector.shape_cast %swap3A_27 : vector<1x1x256xf32> to vector<256xf32>
      %swap3A_29 = vector.shape_cast %reduce_sum3A_16 : vector<256xf32> to vector<1x1x256xf32>
      tpu.vector_store %arg4[%swap3A, %swap3A_25, %swap3A_26], %swap3A_29 {strides = array<i32>} : memref<1x1x256xf32, #tpu.memory_space<vmem>>, vector<1x1x256xf32>,
      %swap3A_30 = arith.constant 0 : index
      %swap3A_31 = arith.constant 0 : index
      %swap3A_32 = arith.constant 0 : index
      %swap3A_33 = vector.load %arg5[%swap3A_30, %swap3A_31, %swap3A_32] : memref<1x1x256xf32, #tpu.memory_space<vmem>>, vector<1x1x256xf32>
      %swap3A_34 = vector.shape_cast %swap3A_33 : vector<1x1x256xf32> to vector<256xf32>
      %swap3A_35 = vector.shape_cast %reduce_sum3A_18 : vector<256xf32> to vector<1x1x256xf32>
      tpu.vector_store %arg5[%swap3A_30, %swap3A_31, %swap3A_32], %swap3A_35 {strides = array<i32>} : memref<1x1x256xf32, #tpu.memory_space<vmem>>, vector<1x1x256xf32>,
    } else {
    }
    %gt3A = arith.constant 0 : i32
    %gt3A_21 = arith.cmpi sgt, %arg1, %gt3A : i32
    %convert_element_type3A_22 = arith.extui %gt3A_21 : i1 to i32
    %cond3A_23 = arith.constant 0 : i32
    %cond3A_24 = arith.cmpi ne, %convert_element_type3A_22, %cond3A_23 : i32
    scf.if %cond3A_24 {
      %get3A_25 = arith.constant 0 : index
      %get3A_26 = arith.constant 0 : index
      %get3A_27 = arith.constant 0 : index
      %get3A_28 = vector.load %arg4[%get3A_25, %get3A_26, %get3A_27] : memref<1x1x256xf32, #tpu.memory_space<vmem>>, vector<1x1x256xf32>
      %get3A_29 = vector.shape_cast %get3A_28 : vector<1x1x256xf32> to vector<256xf32>
      %add3A_30 = arith.addf %get3A_29, %reduce_sum3A_16 : vector<256xf32>
      %swap3A = arith.constant 0 : index
      %swap3A_31 = arith.constant 0 : index
      %swap3A_32 = arith.constant 0 : index
      %swap3A_33 = vector.load %arg4[%swap3A, %swap3A_31, %swap3A_32] : memref<1x1x256xf32, #tpu.memory_space<vmem>>, vector<1x1x256xf32>
      %swap3A_34 = vector.shape_cast %swap3A_33 : vector<1x1x256xf32> to vector<256xf32>
      %swap3A_35 = vector.shape_cast %add3A_30 : vector<256xf32> to vector<1x1x256xf32>
      tpu.vector_store %arg4[%swap3A, %swap3A_31, %swap3A_32], %swap3A_35 {strides = array<i32>} : memref<1x1x256xf32, #tpu.memory_space<vmem>>, vector<1x1x256xf32>,
      %get3A_36 = arith.constant 0 : index
      %get3A_37 = arith.constant 0 : index
      %get3A_38 = arith.constant 0 : index
      %get3A_39 = vector.load %arg5[%get3A_36, %get3A_37, %get3A_38] : memref<1x1x256xf32, #tpu.memory_space<vmem>>, vector<1x1x256xf32>
      %get3A_40 = vector.shape_cast %get3A_39 : vector<1x1x256xf32> to vector<256xf32>
      %add3A_41 = arith.addf %get3A_40, %reduce_sum3A_18 : vector<256xf32>
      %swap3A_42 = arith.constant 0 : index
      %swap3A_43 = arith.constant 0 : index
      %swap3A_44 = arith.constant 0 : index
      %swap3A_45 = vector.load %arg5[%swap3A_42, %swap3A_43, %swap3A_44] : memref<1x1x256xf32, #tpu.memory_space<vmem>>, vector<1x1x256xf32>
      %swap3A_46 = vector.shape_cast %swap3A_45 : vector<1x1x256xf32> to vector<256xf32>
      %swap3A_47 = vector.shape_cast %add3A_41 : vector<256xf32> to vector<1x1x256xf32>
      tpu.vector_store %arg5[%swap3A_42, %swap3A_43, %swap3A_44], %swap3A_47 {strides = array<i32>} : memref<1x1x256xf32, #tpu.memory_space<vmem>>, vector<1x1x256xf32>,
    } else {
    }
    return
  }
  func.func @transform_0(%arg0: i32, %arg1: i32) -> (i32, i32, i32) {
    %c0_i32 = arith.constant 0 : i32
    %c0_i32_0 = arith.constant 0 : i32
    return %arg0, %arg1, %c0_i32 : i32, i32, i32
  }
  func.func @transform_1(%arg0: i32, %arg1: i32) -> (i32, i32, i32) {
    %c0_i32 = arith.constant 0 : i32
    %c0_i32_0 = arith.constant 0 : i32
    return %arg0, %arg1, %c0_i32 : i32, i32, i32
  }
  func.func @transform_2(%arg0: i32, %arg1: i32) -> (i32, i32, i32) {
    %c0_i32 = arith.constant 0 : i32
    %c0_i32_0 = arith.constant 0 : i32
    %c0_i32_1 = arith.constant 0 : i32
    return %arg0, %c0_i32, %c0_i32_0 : i32, i32, i32
  }
  func.func @transform_3(%arg0: i32, %arg1: i32) -> (i32, i32, i32) {
    %c0_i32 = arith.constant 0 : i32
    %c0_i32_0 = arith.constant 0 : i32
    %c0_i32_1 = arith.constant 0 : i32
    return %arg0, %c0_i32, %c0_i32_0 : i32, i32, i32
  }
}

module attributes {stable_mosaic.version = 14 : i64} {
  func.func @_stage_a_body(%arg0: i32, %arg1: memref<1x256x1024xf32, #tpu.memory_space<vmem>>, %arg2: memref<256x512xf32, #tpu.memory_space<vmem>>, %arg3: memref<1x256xf32, #tpu.memory_space<vmem>>, %arg4: memref<1x1024x16xi32, #tpu.memory_space<vmem>>, %arg5: memref<1x1024x256xf32, #tpu.memory_space<vmem>>, %arg6: memref<1x1024x128xi32, #tpu.memory_space<vmem>>) attributes {dimension_semantics = [#tpu.dimension_semantics<arbitrary>], iteration_bounds = array<i64: 4>, scalar_prefetch = 0 : i64, scratch_operands = 0 : i64, tpu.core_type = #tpu.core_type<tc>, window_params = [{transform_indices = @transform_0, window_bounds = array<i64: 1, 256, 1024>}, {pipeline_mode = #tpu.pipeline_mode<synchronous>, transform_indices = @transform_1, window_bounds = array<i64: 256, 512>}, {pipeline_mode = #tpu.pipeline_mode<synchronous>, transform_indices = @transform_2, window_bounds = array<i64: 1, 256>}, {transform_indices = @transform_3, window_bounds = array<i64: 1, 1024, 16>}, {transform_indices = @transform_4, window_bounds = array<i64: 1, 1024, 256>}, {transform_indices = @transform_5, window_bounds = array<i64: 1, 1024, 128>}]} {
    %get3A = arith.constant 0 : index
    %get3A_0 = arith.constant 0 : index
    %get3A_1 = arith.constant 0 : index
    %get3A_2 = vector.load %arg1[%get3A, %get3A_0, %get3A_1] : memref<1x256x1024xf32, #tpu.memory_space<vmem>>, vector<1x256x1024xf32>
    %get3A_3 = vector.shape_cast %get3A_2 : vector<1x256x1024xf32> to vector<256x1024xf32>
    %get3A_4 = arith.constant 0 : index
    %get3A_5 = arith.constant 0 : index
    %get3A_6 = vector.load %arg2[%get3A_4, %get3A_5] : memref<256x512xf32, #tpu.memory_space<vmem>>, vector<256x512xf32>
    %slice3A = vector.extract_strided_slice %get3A_6 {offsets = [0, 0], sizes = [256, 256], strides = [1, 1]} : vector<256x512xf32> to vector<256x256xf32>
    %slice3A_7 = vector.extract_strided_slice %get3A_6 {offsets = [0, 256], sizes = [256, 256], strides = [1, 1]} : vector<256x512xf32> to vector<256x256xf32>
    %dot_general3A = arith.constant dense<0.000000e+00> : vector<1024x1024xf32>
    %dot_general3A_8 = tpu.matmul %get3A_3, %get3A_3, %dot_general3A {dimension_numbers = #tpu.dot_dimension_numbers<[0], [0], [1], [1], [0, 1, 1, 1], [], []>, transpose_lhs_hint = false} : vector<256x1024xf32>, vector<256x1024xf32>, vector<1024x1024xf32> -> vector<1024x1024xf32>
    %mul3A = arith.mulf %get3A_3, %get3A_3 : vector<256x1024xf32>
    %reduce_sum3A = arith.constant dense<0.000000e+00> : vector<1024xf32>
    %reduce_sum3A_9 = vector.multi_reduction <add>, %mul3A, %reduce_sum3A [0] : vector<256x1024xf32> to vector<1024xf32>
    %broadcast_in_dim3A = vector.shape_cast %reduce_sum3A_9 : vector<1024xf32> to vector<1024x1xf32>
    %broadcast_in_dim3A_10 = vector.shape_cast %reduce_sum3A_9 : vector<1024xf32> to vector<1x1024xf32>
    %add3A = vector.broadcast %broadcast_in_dim3A : vector<1024x1xf32> to vector<1024x1024xf32>
    %add3A_11 = vector.broadcast %broadcast_in_dim3A_10 : vector<1x1024xf32> to vector<1024x1024xf32>
    %add3A_12 = arith.addf %add3A, %add3A_11 : vector<1024x1024xf32>
    %mul3A_13 = arith.constant 2.000000e+00 : f32
    %mul3A_14 = vector.broadcast %mul3A_13 : f32 to vector<1024x1024xf32>
    %mul3A_15 = arith.mulf %mul3A_14, %dot_general3A_8 : vector<1024x1024xf32>
    %sub3A = arith.subf %add3A_12, %mul3A_15 : vector<1024x1024xf32>
    %max3A = arith.constant 0.000000e+00 : f32
    %max3A_16 = vector.broadcast %max3A : f32 to vector<1024x1024xf32>
    %max3A_17 = arith.maximumf %sub3A, %max3A_16 : vector<1024x1024xf32>
    %iota3A = tpu.iota {dimensions = array<i32: 1>} : vector<1024x1024xi32>
    %argmin3A = tpu.reduce_index %max3A_17 {axis = 1 : i32, kind = #tpu.reduction_kind<arg_min>} : vector<1024x1024xf32> -> vector<1024xi32>
    %broadcast_in_dim3A_18 = vector.shape_cast %argmin3A : vector<1024xi32> to vector<1024x1xi32>
    %eq3A = vector.broadcast %broadcast_in_dim3A_18 : vector<1024x1xi32> to vector<1024x1024xi32>
    %eq3A_19 = arith.cmpi eq, %iota3A, %eq3A : vector<1024x1024xi32>
    %jit3A = arith.constant 0x7F800000 : f32
    %broadcast_in_dim3A_20 = vector.broadcast %jit3A : f32 to vector<1024x1024xf32>
    %select_n3A = arith.select %eq3A_19, %broadcast_in_dim3A_20, %max3A_17 : vector<1024x1024xi1>, vector<1024x1024xf32>
    %argmin3A_21 = tpu.reduce_index %select_n3A {axis = 1 : i32, kind = #tpu.reduction_kind<arg_min>} : vector<1024x1024xf32> -> vector<1024xi32>
    %broadcast_in_dim3A_22 = vector.shape_cast %argmin3A_21 : vector<1024xi32> to vector<1024x1xi32>
    %eq3A_23 = vector.broadcast %broadcast_in_dim3A_22 : vector<1024x1xi32> to vector<1024x1024xi32>
    %eq3A_24 = arith.cmpi eq, %iota3A, %eq3A_23 : vector<1024x1024xi32>
    %jit3A_25 = arith.constant 0x7F800000 : f32
    %broadcast_in_dim3A_26 = vector.broadcast %jit3A_25 : f32 to vector<1024x1024xf32>
    %select_n3A_27 = arith.select %eq3A_24, %broadcast_in_dim3A_26, %select_n3A : vector<1024x1024xi1>, vector<1024x1024xf32>
    %argmin3A_28 = tpu.reduce_index %select_n3A_27 {axis = 1 : i32, kind = #tpu.reduction_kind<arg_min>} : vector<1024x1024xf32> -> vector<1024xi32>
    %broadcast_in_dim3A_29 = vector.shape_cast %argmin3A_28 : vector<1024xi32> to vector<1024x1xi32>
    %eq3A_30 = vector.broadcast %broadcast_in_dim3A_29 : vector<1024x1xi32> to vector<1024x1024xi32>
    %eq3A_31 = arith.cmpi eq, %iota3A, %eq3A_30 : vector<1024x1024xi32>
    %jit3A_32 = arith.constant 0x7F800000 : f32
    %broadcast_in_dim3A_33 = vector.broadcast %jit3A_32 : f32 to vector<1024x1024xf32>
    %select_n3A_34 = arith.select %eq3A_31, %broadcast_in_dim3A_33, %select_n3A_27 : vector<1024x1024xi1>, vector<1024x1024xf32>
    %argmin3A_35 = tpu.reduce_index %select_n3A_34 {axis = 1 : i32, kind = #tpu.reduction_kind<arg_min>} : vector<1024x1024xf32> -> vector<1024xi32>
    %broadcast_in_dim3A_36 = vector.shape_cast %argmin3A_35 : vector<1024xi32> to vector<1024x1xi32>
    %eq3A_37 = vector.broadcast %broadcast_in_dim3A_36 : vector<1024x1xi32> to vector<1024x1024xi32>
    %eq3A_38 = arith.cmpi eq, %iota3A, %eq3A_37 : vector<1024x1024xi32>
    %jit3A_39 = arith.constant 0x7F800000 : f32
    %broadcast_in_dim3A_40 = vector.broadcast %jit3A_39 : f32 to vector<1024x1024xf32>
    %select_n3A_41 = arith.select %eq3A_38, %broadcast_in_dim3A_40, %select_n3A_34 : vector<1024x1024xi1>, vector<1024x1024xf32>
    %argmin3A_42 = tpu.reduce_index %select_n3A_41 {axis = 1 : i32, kind = #tpu.reduction_kind<arg_min>} : vector<1024x1024xf32> -> vector<1024xi32>
    %broadcast_in_dim3A_43 = vector.shape_cast %argmin3A_42 : vector<1024xi32> to vector<1024x1xi32>
    %eq3A_44 = vector.broadcast %broadcast_in_dim3A_43 : vector<1024x1xi32> to vector<1024x1024xi32>
    %eq3A_45 = arith.cmpi eq, %iota3A, %eq3A_44 : vector<1024x1024xi32>
    %jit3A_46 = arith.constant 0x7F800000 : f32
    %broadcast_in_dim3A_47 = vector.broadcast %jit3A_46 : f32 to vector<1024x1024xf32>
    %select_n3A_48 = arith.select %eq3A_45, %broadcast_in_dim3A_47, %select_n3A_41 : vector<1024x1024xi1>, vector<1024x1024xf32>
    %argmin3A_49 = tpu.reduce_index %select_n3A_48 {axis = 1 : i32, kind = #tpu.reduction_kind<arg_min>} : vector<1024x1024xf32> -> vector<1024xi32>
    %broadcast_in_dim3A_50 = vector.shape_cast %argmin3A_49 : vector<1024xi32> to vector<1024x1xi32>
    %eq3A_51 = vector.broadcast %broadcast_in_dim3A_50 : vector<1024x1xi32> to vector<1024x1024xi32>
    %eq3A_52 = arith.cmpi eq, %iota3A, %eq3A_51 : vector<1024x1024xi32>
    %jit3A_53 = arith.constant 0x7F800000 : f32
    %broadcast_in_dim3A_54 = vector.broadcast %jit3A_53 : f32 to vector<1024x1024xf32>
    %select_n3A_55 = arith.select %eq3A_52, %broadcast_in_dim3A_54, %select_n3A_48 : vector<1024x1024xi1>, vector<1024x1024xf32>
    %argmin3A_56 = tpu.reduce_index %select_n3A_55 {axis = 1 : i32, kind = #tpu.reduction_kind<arg_min>} : vector<1024x1024xf32> -> vector<1024xi32>
    %broadcast_in_dim3A_57 = vector.shape_cast %argmin3A_56 : vector<1024xi32> to vector<1024x1xi32>
    %eq3A_58 = vector.broadcast %broadcast_in_dim3A_57 : vector<1024x1xi32> to vector<1024x1024xi32>
    %eq3A_59 = arith.cmpi eq, %iota3A, %eq3A_58 : vector<1024x1024xi32>
    %jit3A_60 = arith.constant 0x7F800000 : f32
    %broadcast_in_dim3A_61 = vector.broadcast %jit3A_60 : f32 to vector<1024x1024xf32>
    %select_n3A_62 = arith.select %eq3A_59, %broadcast_in_dim3A_61, %select_n3A_55 : vector<1024x1024xi1>, vector<1024x1024xf32>
    %argmin3A_63 = tpu.reduce_index %select_n3A_62 {axis = 1 : i32, kind = #tpu.reduction_kind<arg_min>} : vector<1024x1024xf32> -> vector<1024xi32>
    %broadcast_in_dim3A_64 = vector.shape_cast %argmin3A_63 : vector<1024xi32> to vector<1024x1xi32>
    %eq3A_65 = vector.broadcast %broadcast_in_dim3A_64 : vector<1024x1xi32> to vector<1024x1024xi32>
    %eq3A_66 = arith.cmpi eq, %iota3A, %eq3A_65 : vector<1024x1024xi32>
    %jit3A_67 = arith.constant 0x7F800000 : f32
    %broadcast_in_dim3A_68 = vector.broadcast %jit3A_67 : f32 to vector<1024x1024xf32>
    %select_n3A_69 = arith.select %eq3A_66, %broadcast_in_dim3A_68, %select_n3A_62 : vector<1024x1024xi1>, vector<1024x1024xf32>
    %argmin3A_70 = tpu.reduce_index %select_n3A_69 {axis = 1 : i32, kind = #tpu.reduction_kind<arg_min>} : vector<1024x1024xf32> -> vector<1024xi32>
    %broadcast_in_dim3A_71 = vector.shape_cast %argmin3A_70 : vector<1024xi32> to vector<1024x1xi32>
    %eq3A_72 = vector.broadcast %broadcast_in_dim3A_71 : vector<1024x1xi32> to vector<1024x1024xi32>
    %eq3A_73 = arith.cmpi eq, %iota3A, %eq3A_72 : vector<1024x1024xi32>
    %jit3A_74 = arith.constant 0x7F800000 : f32
    %broadcast_in_dim3A_75 = vector.broadcast %jit3A_74 : f32 to vector<1024x1024xf32>
    %select_n3A_76 = arith.select %eq3A_73, %broadcast_in_dim3A_75, %select_n3A_69 : vector<1024x1024xi1>, vector<1024x1024xf32>
    %argmin3A_77 = tpu.reduce_index %select_n3A_76 {axis = 1 : i32, kind = #tpu.reduction_kind<arg_min>} : vector<1024x1024xf32> -> vector<1024xi32>
    %broadcast_in_dim3A_78 = vector.shape_cast %argmin3A_77 : vector<1024xi32> to vector<1024x1xi32>
    %eq3A_79 = vector.broadcast %broadcast_in_dim3A_78 : vector<1024x1xi32> to vector<1024x1024xi32>
    %eq3A_80 = arith.cmpi eq, %iota3A, %eq3A_79 : vector<1024x1024xi32>
    %jit3A_81 = arith.constant 0x7F800000 : f32
    %broadcast_in_dim3A_82 = vector.broadcast %jit3A_81 : f32 to vector<1024x1024xf32>
    %select_n3A_83 = arith.select %eq3A_80, %broadcast_in_dim3A_82, %select_n3A_76 : vector<1024x1024xi1>, vector<1024x1024xf32>
    %argmin3A_84 = tpu.reduce_index %select_n3A_83 {axis = 1 : i32, kind = #tpu.reduction_kind<arg_min>} : vector<1024x1024xf32> -> vector<1024xi32>
    %broadcast_in_dim3A_85 = vector.shape_cast %argmin3A_84 : vector<1024xi32> to vector<1024x1xi32>
    %eq3A_86 = vector.broadcast %broadcast_in_dim3A_85 : vector<1024x1xi32> to vector<1024x1024xi32>
    %eq3A_87 = arith.cmpi eq, %iota3A, %eq3A_86 : vector<1024x1024xi32>
    %jit3A_88 = arith.constant 0x7F800000 : f32
    %broadcast_in_dim3A_89 = vector.broadcast %jit3A_88 : f32 to vector<1024x1024xf32>
    %select_n3A_90 = arith.select %eq3A_87, %broadcast_in_dim3A_89, %select_n3A_83 : vector<1024x1024xi1>, vector<1024x1024xf32>
    %argmin3A_91 = tpu.reduce_index %select_n3A_90 {axis = 1 : i32, kind = #tpu.reduction_kind<arg_min>} : vector<1024x1024xf32> -> vector<1024xi32>
    %broadcast_in_dim3A_92 = vector.shape_cast %argmin3A_91 : vector<1024xi32> to vector<1024x1xi32>
    %eq3A_93 = vector.broadcast %broadcast_in_dim3A_92 : vector<1024x1xi32> to vector<1024x1024xi32>
    %eq3A_94 = arith.cmpi eq, %iota3A, %eq3A_93 : vector<1024x1024xi32>
    %jit3A_95 = arith.constant 0x7F800000 : f32
    %broadcast_in_dim3A_96 = vector.broadcast %jit3A_95 : f32 to vector<1024x1024xf32>
    %select_n3A_97 = arith.select %eq3A_94, %broadcast_in_dim3A_96, %select_n3A_90 : vector<1024x1024xi1>, vector<1024x1024xf32>
    %argmin3A_98 = tpu.reduce_index %select_n3A_97 {axis = 1 : i32, kind = #tpu.reduction_kind<arg_min>} : vector<1024x1024xf32> -> vector<1024xi32>
    %broadcast_in_dim3A_99 = vector.shape_cast %argmin3A_98 : vector<1024xi32> to vector<1024x1xi32>
    %eq3A_100 = vector.broadcast %broadcast_in_dim3A_99 : vector<1024x1xi32> to vector<1024x1024xi32>
    %eq3A_101 = arith.cmpi eq, %iota3A, %eq3A_100 : vector<1024x1024xi32>
    %jit3A_102 = arith.constant 0x7F800000 : f32
    %broadcast_in_dim3A_103 = vector.broadcast %jit3A_102 : f32 to vector<1024x1024xf32>
    %select_n3A_104 = arith.select %eq3A_101, %broadcast_in_dim3A_103, %select_n3A_97 : vector<1024x1024xi1>, vector<1024x1024xf32>
    %argmin3A_105 = tpu.reduce_index %select_n3A_104 {axis = 1 : i32, kind = #tpu.reduction_kind<arg_min>} : vector<1024x1024xf32> -> vector<1024xi32>
    %broadcast_in_dim3A_106 = vector.shape_cast %argmin3A_105 : vector<1024xi32> to vector<1024x1xi32>
    %eq3A_107 = vector.broadcast %broadcast_in_dim3A_106 : vector<1024x1xi32> to vector<1024x1024xi32>
    %eq3A_108 = arith.cmpi eq, %iota3A, %eq3A_107 : vector<1024x1024xi32>
    %jit3A_109 = arith.constant 0x7F800000 : f32
    %broadcast_in_dim3A_110 = vector.broadcast %jit3A_109 : f32 to vector<1024x1024xf32>
    %select_n3A_111 = arith.select %eq3A_108, %broadcast_in_dim3A_110, %select_n3A_104 : vector<1024x1024xi1>, vector<1024x1024xf32>
    %argmin3A_112 = tpu.reduce_index %select_n3A_111 {axis = 1 : i32, kind = #tpu.reduction_kind<arg_min>} : vector<1024x1024xf32> -> vector<1024xi32>
    %broadcast_in_dim3A_113 = vector.shape_cast %argmin3A_112 : vector<1024xi32> to vector<1024x1xi32>
    %eq3A_114 = vector.broadcast %broadcast_in_dim3A_113 : vector<1024x1xi32> to vector<1024x1024xi32>
    %eq3A_115 = arith.cmpi eq, %iota3A, %eq3A_114 : vector<1024x1024xi32>
    %jit3A_116 = arith.constant 0x7F800000 : f32
    %broadcast_in_dim3A_117 = vector.broadcast %jit3A_116 : f32 to vector<1024x1024xf32>
    %select_n3A_118 = arith.select %eq3A_115, %broadcast_in_dim3A_117, %select_n3A_111 : vector<1024x1024xi1>, vector<1024x1024xf32>
    %argmin3A_119 = tpu.reduce_index %select_n3A_118 {axis = 1 : i32, kind = #tpu.reduction_kind<arg_min>} : vector<1024x1024xf32> -> vector<1024xi32>
    %broadcast_in_dim3A_120 = vector.shape_cast %argmin3A_119 : vector<1024xi32> to vector<1024x1xi32>
    %concatenate3A = tpu.concatenate %broadcast_in_dim3A_18, %broadcast_in_dim3A_22, %broadcast_in_dim3A_29, %broadcast_in_dim3A_36, %broadcast_in_dim3A_43, %broadcast_in_dim3A_50, %broadcast_in_dim3A_57, %broadcast_in_dim3A_64, %broadcast_in_dim3A_71, %broadcast_in_dim3A_78, %broadcast_in_dim3A_85, %broadcast_in_dim3A_92, %broadcast_in_dim3A_99, %broadcast_in_dim3A_106, %broadcast_in_dim3A_113, %broadcast_in_dim3A_120 in 1 : vector<1024x1xi32>, vector<1024x1xi32>, vector<1024x1xi32>, vector<1024x1xi32>, vector<1024x1xi32>, vector<1024x1xi32>, vector<1024x1xi32>, vector<1024x1xi32>, vector<1024x1xi32>, vector<1024x1xi32>, vector<1024x1xi32>, vector<1024x1xi32>, vector<1024x1xi32>, vector<1024x1xi32>, vector<1024x1xi32>, vector<1024x1xi32> -> vector<1024x16xi32>
    %mul3A_121 = arith.constant 1024 : i32
    %mul3A_122 = arith.muli %arg0, %mul3A_121 : i32
    %add3A_123 = vector.broadcast %mul3A_122 : i32 to vector<1024x16xi32>
    %add3A_124 = arith.addi %concatenate3A, %add3A_123 : vector<1024x16xi32>
    %swap3A = arith.constant 0 : index
    %swap3A_125 = arith.constant 0 : index
    %swap3A_126 = arith.constant 0 : index
    %swap3A_127 = vector.load %arg4[%swap3A, %swap3A_125, %swap3A_126] : memref<1x1024x16xi32, #tpu.memory_space<vmem>>, vector<1x1024x16xi32>
    %swap3A_128 = vector.shape_cast %swap3A_127 : vector<1x1024x16xi32> to vector<1024x16xi32>
    %swap3A_129 = vector.shape_cast %add3A_124 : vector<1024x16xi32> to vector<1x1024x16xi32>
    tpu.vector_store %arg4[%swap3A, %swap3A_125, %swap3A_126], %swap3A_129 {strides = array<i32>} : memref<1x1024x16xi32, #tpu.memory_space<vmem>>, vector<1x1024x16xi32>,
    %sub3A_130 = arith.subf %slice3A, %slice3A_7 : vector<256x256xf32>
    %dot_general3A_131 = arith.constant dense<0.000000e+00> : vector<1024x256xf32>
    %dot_general3A_132 = tpu.matmul %get3A_3, %sub3A_130, %dot_general3A_131 {dimension_numbers = #tpu.dot_dimension_numbers<[0], [1], [1], [0], [0, 1, 1, 0], [], []>, transpose_lhs_hint = false} : vector<256x1024xf32>, vector<256x256xf32>, vector<1024x256xf32> -> vector<1024x256xf32>
    %get3A_133 = arith.constant 0 : index
    %get3A_134 = arith.constant 0 : index
    %get3A_135 = vector.load %arg3[%get3A_133, %get3A_134] : memref<1x256xf32, #tpu.memory_space<vmem>>, vector<1x256xf32>
    %add3A_136 = vector.broadcast %get3A_135 : vector<1x256xf32> to vector<1024x256xf32>
    %add3A_137 = arith.addf %dot_general3A_132, %add3A_136 : vector<1024x256xf32>
    %swap3A_138 = arith.constant 0 : index
    %swap3A_139 = arith.constant 0 : index
    %swap3A_140 = arith.constant 0 : index
    %swap3A_141 = vector.load %arg5[%swap3A_138, %swap3A_139, %swap3A_140] : memref<1x1024x256xf32, #tpu.memory_space<vmem>>, vector<1x1024x256xf32>
    %swap3A_142 = vector.shape_cast %swap3A_141 : vector<1x1024x256xf32> to vector<1024x256xf32>
    %swap3A_143 = vector.shape_cast %add3A_137 : vector<1024x256xf32> to vector<1x1024x256xf32>
    tpu.vector_store %arg5[%swap3A_138, %swap3A_139, %swap3A_140], %swap3A_143 {strides = array<i32>} : memref<1x1024x256xf32, #tpu.memory_space<vmem>>, vector<1x1024x256xf32>,
    %dot_general3A_144 = arith.constant dense<0.000000e+00> : vector<1024x256xf32>
    %dot_general3A_145 = tpu.matmul %get3A_3, %slice3A_7, %dot_general3A_144 {dimension_numbers = #tpu.dot_dimension_numbers<[0], [1], [1], [0], [0, 1, 1, 0], [], []>, transpose_lhs_hint = false} : vector<256x1024xf32>, vector<256x256xf32>, vector<1024x256xf32> -> vector<1024x256xf32>
    %slice3A_146 = vector.extract_strided_slice %dot_general3A_145 {offsets = [0, 0], sizes = [1024, 128], strides = [1, 1]} : vector<1024x256xf32> to vector<1024x128xf32>
    %slice3A_147 = vector.extract_strided_slice %dot_general3A_145 {offsets = [0, 128], sizes = [1024, 128], strides = [1, 1]} : vector<1024x256xf32> to vector<1024x128xf32>
    %convert_element_type3A = arith.truncf %slice3A_146 : vector<1024x128xf32> to vector<1024x128xbf16>
    %convert_element_type3A_148 = arith.extf %convert_element_type3A : vector<1024x128xbf16> to vector<1024x128xf32>
    %bitcast_convert_type3A = tpu.bitcast %convert_element_type3A_148 : vector<1024x128xf32> -> vector<1024x128xi32>
    %shift_right_logical3A = arith.constant 16 : i32
    %shift_right_logical3A_149 = vector.broadcast %shift_right_logical3A : i32 to vector<1024x128xi32>
    %shift_right_logical3A_150 = arith.shrui %bitcast_convert_type3A, %shift_right_logical3A_149 : vector<1024x128xi32>
    %convert_element_type3A_151 = arith.truncf %slice3A_147 : vector<1024x128xf32> to vector<1024x128xbf16>
    %convert_element_type3A_152 = arith.extf %convert_element_type3A_151 : vector<1024x128xbf16> to vector<1024x128xf32>
    %bitcast_convert_type3A_153 = tpu.bitcast %convert_element_type3A_152 : vector<1024x128xf32> -> vector<1024x128xi32>
    %and3A = arith.constant -65536 : i32
    %and3A_154 = vector.broadcast %and3A : i32 to vector<1024x128xi32>
    %and3A_155 = arith.andi %bitcast_convert_type3A_153, %and3A_154 : vector<1024x128xi32>
    %or3A = arith.ori %shift_right_logical3A_150, %and3A_155 : vector<1024x128xi32>
    %bitcast_convert_type3A_156 = tpu.bitcast %or3A : vector<1024x128xi32> -> vector<1024x128xi32>
    %swap3A_157 = arith.constant 0 : index
    %swap3A_158 = arith.constant 0 : index
    %swap3A_159 = arith.constant 0 : index
    %swap3A_160 = vector.load %arg6[%swap3A_157, %swap3A_158, %swap3A_159] : memref<1x1024x128xi32, #tpu.memory_space<vmem>>, vector<1x1024x128xi32>
    %swap3A_161 = vector.shape_cast %swap3A_160 : vector<1x1024x128xi32> to vector<1024x128xi32>
    %swap3A_162 = vector.shape_cast %bitcast_convert_type3A_156 : vector<1024x128xi32> to vector<1x1024x128xi32>
    tpu.vector_store %arg6[%swap3A_157, %swap3A_158, %swap3A_159], %swap3A_162 {strides = array<i32>} : memref<1x1024x128xi32, #tpu.memory_space<vmem>>, vector<1x1024x128xi32>,
    return
  }
  func.func @transform_0(%arg0: i32) -> (i32, i32, i32) {
    %c0_i32 = arith.constant 0 : i32
    %c0_i32_0 = arith.constant 0 : i32
    %c0_i32_1 = arith.constant 0 : i32
    return %arg0, %c0_i32, %c0_i32_0 : i32, i32, i32
  }
  func.func @transform_1(%arg0: i32) -> (i32, i32) {
    %c0_i32 = arith.constant 0 : i32
    %c0_i32_0 = arith.constant 0 : i32
    %c0_i32_1 = arith.constant 0 : i32
    return %c0_i32, %c0_i32_0 : i32, i32
  }
  func.func @transform_2(%arg0: i32) -> (i32, i32) {
    %c0_i32 = arith.constant 0 : i32
    %c0_i32_0 = arith.constant 0 : i32
    %c0_i32_1 = arith.constant 0 : i32
    return %c0_i32, %c0_i32_0 : i32, i32
  }
  func.func @transform_3(%arg0: i32) -> (i32, i32, i32) {
    %c0_i32 = arith.constant 0 : i32
    %c0_i32_0 = arith.constant 0 : i32
    %c0_i32_1 = arith.constant 0 : i32
    return %arg0, %c0_i32, %c0_i32_0 : i32, i32, i32
  }
  func.func @transform_4(%arg0: i32) -> (i32, i32, i32) {
    %c0_i32 = arith.constant 0 : i32
    %c0_i32_0 = arith.constant 0 : i32
    %c0_i32_1 = arith.constant 0 : i32
    return %arg0, %c0_i32, %c0_i32_0 : i32, i32, i32
  }
  func.func @transform_5(%arg0: i32) -> (i32, i32, i32) {
    %c0_i32 = arith.constant 0 : i32
    %c0_i32_0 = arith.constant 0 : i32
    %c0_i32_1 = arith.constant 0 : i32
    return %arg0, %c0_i32, %c0_i32_0 : i32, i32, i32
  }
}

module attributes {stable_mosaic.version = 14 : i64} {
  func.func @_stage_d_body(%arg0: i32, %arg1: i32, %arg2: memref<1x8192x128xi32, #tpu.memory_space<vmem>>, %arg3: memref<1x512x256xf32, #tpu.memory_space<vmem>>, %arg4: memref<1x1x256xf32, #tpu.memory_space<vmem>>, %arg5: memref<1x1x256xf32, #tpu.memory_space<vmem>>, %arg6: memref<1x256xf32, #tpu.memory_space<vmem>>, %arg7: memref<1x256xf32, #tpu.memory_space<vmem>>, %arg8: memref<256x256xf32, #tpu.memory_space<vmem>>, %arg9: memref<1x256xf32, #tpu.memory_space<vmem>>, %arg10: memref<1x8192x128xi32, #tpu.memory_space<vmem>>, %arg11: memref<1x1x256xf32, #tpu.memory_space<vmem>>, %arg12: memref<1x1x256xf32, #tpu.memory_space<vmem>>) attributes {dimension_semantics = [#tpu.dimension_semantics<arbitrary>, #tpu.dimension_semantics<arbitrary>], iteration_bounds = array<i64: 4, 2>, scalar_prefetch = 0 : i64, scratch_operands = 0 : i64, tpu.core_type = #tpu.core_type<tc>, window_params = [{transform_indices = @transform_0, window_bounds = array<i64: 1, 8192, 128>}, {transform_indices = @transform_1, window_bounds = array<i64: 1, 512, 256>}, {transform_indices = @transform_2, window_bounds = array<i64: 1, 1, 256>}, {transform_indices = @transform_3, window_bounds = array<i64: 1, 1, 256>}, {pipeline_mode = #tpu.pipeline_mode<synchronous>, transform_indices = @transform_4, window_bounds = array<i64: 1, 256>}, {pipeline_mode = #tpu.pipeline_mode<synchronous>, transform_indices = @transform_5, window_bounds = array<i64: 1, 256>}, {pipeline_mode = #tpu.pipeline_mode<synchronous>, transform_indices = @transform_6, window_bounds = array<i64: 256, 256>}, {pipeline_mode = #tpu.pipeline_mode<synchronous>, transform_indices = @transform_7, window_bounds = array<i64: 1, 256>}, {transform_indices = @transform_8, window_bounds = array<i64: 1, 8192, 128>}, {transform_indices = @transform_9, window_bounds = array<i64: 1, 1, 256>}, {transform_indices = @transform_10, window_bounds = array<i64: 1, 1, 256>}]} {
    %get3A = arith.constant 0 : index
    %get3A_0 = arith.constant 0 : index
    %get3A_1 = arith.constant 0 : index
    %get3A_2 = vector.load %arg4[%get3A, %get3A_0, %get3A_1] : memref<1x1x256xf32, #tpu.memory_space<vmem>>, vector<1x1x256xf32>
    %get3A_3 = vector.shape_cast %get3A_2 : vector<1x1x256xf32> to vector<1x256xf32>
    %get3A_4 = arith.constant 0 : index
    %get3A_5 = arith.constant 0 : index
    %get3A_6 = arith.constant 0 : index
    %get3A_7 = vector.load %arg5[%get3A_4, %get3A_5, %get3A_6] : memref<1x1x256xf32, #tpu.memory_space<vmem>>, vector<1x1x256xf32>
    %get3A_8 = vector.shape_cast %get3A_7 : vector<1x1x256xf32> to vector<1x256xf32>
    %get3A_9 = arith.constant 0 : index
    %get3A_10 = arith.constant 0 : index
    %get3A_11 = vector.load %arg6[%get3A_9, %get3A_10] : memref<1x256xf32, #tpu.memory_space<vmem>>, vector<1x256xf32>
    %get3A_12 = arith.constant 0 : index
    %get3A_13 = arith.constant 0 : index
    %get3A_14 = vector.load %arg7[%get3A_12, %get3A_13] : memref<1x256xf32, #tpu.memory_space<vmem>>, vector<1x256xf32>
    %iota3A = tpu.iota {dimensions = array<i32: 0>} : vector<256x256xi32>
    %jit3A = arith.constant 8 : i32
    %div3A = vector.broadcast %jit3A : i32 to vector<256x256xi32>
    %div3A_15 = arith.divsi %iota3A, %div3A : vector<256x256xi32>
    %sign3A = arith.constant 0 : i32
    %sign3A_16 = vector.broadcast %sign3A : i32 to vector<256x256xi32>
    %sign3A_17 = arith.cmpi sgt, %iota3A, %sign3A_16 : vector<256x256xi32>
    %sign3A_18 = arith.extui %sign3A_17 : vector<256x256xi1> to vector<256x256xi32>
    %sign3A_19 = arith.constant 0 : i32
    %sign3A_20 = vector.broadcast %sign3A_19 : i32 to vector<256x256xi32>
    %sign3A_21 = arith.cmpi slt, %iota3A, %sign3A_20 : vector<256x256xi32>
    %sign3A_22 = arith.extui %sign3A_21 : vector<256x256xi1> to vector<256x256xi32>
    %sign3A_23 = arith.subi %sign3A_18, %sign3A_22 : vector<256x256xi32>
    %sign3A_24 = arith.constant 0 : i32
    %sign3A_25 = arith.cmpi sgt, %jit3A, %sign3A_24 : i32
    %sign3A_26 = arith.extui %sign3A_25 : i1 to i32
    %sign3A_27 = arith.constant 0 : i32
    %sign3A_28 = arith.cmpi slt, %jit3A, %sign3A_27 : i32
    %sign3A_29 = arith.extui %sign3A_28 : i1 to i32
    %sign3A_30 = arith.subi %sign3A_26, %sign3A_29 : i32
    %ne3A = vector.broadcast %sign3A_30 : i32 to vector<256x256xi32>
    %ne3A_31 = arith.cmpi ne, %sign3A_23, %ne3A : vector<256x256xi32>
    %rem3A = vector.broadcast %jit3A : i32 to vector<256x256xi32>
    %rem3A_32 = arith.remsi %iota3A, %rem3A : vector<256x256xi32>
    %ne3A_33 = arith.constant 0 : i32
    %ne3A_34 = vector.broadcast %ne3A_33 : i32 to vector<256x256xi32>
    %ne3A_35 = arith.cmpi ne, %rem3A_32, %ne3A_34 : vector<256x256xi32>
    %and3A = arith.andi %ne3A_31, %ne3A_35 : vector<256x256xi1>
    %sub3A = arith.constant 1 : i32
    %sub3A_36 = vector.broadcast %sub3A : i32 to vector<256x256xi32>
    %sub3A_37 = arith.subi %div3A_15, %sub3A_36 : vector<256x256xi32>
    %select_n3A = arith.select %and3A, %sub3A_37, %div3A_15 : vector<256x256xi1>, vector<256x256xi32>
    %iota3A_38 = tpu.iota {dimensions = array<i32: 1>} : vector<256x256xi32>
    %jit3A_39 = arith.constant 8 : i32
    %div3A_40 = vector.broadcast %jit3A_39 : i32 to vector<256x256xi32>
    %div3A_41 = arith.divsi %iota3A_38, %div3A_40 : vector<256x256xi32>
    %sign3A_42 = arith.constant 0 : i32
    %sign3A_43 = vector.broadcast %sign3A_42 : i32 to vector<256x256xi32>
    %sign3A_44 = arith.cmpi sgt, %iota3A_38, %sign3A_43 : vector<256x256xi32>
    %sign3A_45 = arith.extui %sign3A_44 : vector<256x256xi1> to vector<256x256xi32>
    %sign3A_46 = arith.constant 0 : i32
    %sign3A_47 = vector.broadcast %sign3A_46 : i32 to vector<256x256xi32>
    %sign3A_48 = arith.cmpi slt, %iota3A_38, %sign3A_47 : vector<256x256xi32>
    %sign3A_49 = arith.extui %sign3A_48 : vector<256x256xi1> to vector<256x256xi32>
    %sign3A_50 = arith.subi %sign3A_45, %sign3A_49 : vector<256x256xi32>
    %sign3A_51 = arith.constant 0 : i32
    %sign3A_52 = arith.cmpi sgt, %jit3A_39, %sign3A_51 : i32
    %sign3A_53 = arith.extui %sign3A_52 : i1 to i32
    %sign3A_54 = arith.constant 0 : i32
    %sign3A_55 = arith.cmpi slt, %jit3A_39, %sign3A_54 : i32
    %sign3A_56 = arith.extui %sign3A_55 : i1 to i32
    %sign3A_57 = arith.subi %sign3A_53, %sign3A_56 : i32
    %ne3A_58 = vector.broadcast %sign3A_57 : i32 to vector<256x256xi32>
    %ne3A_59 = arith.cmpi ne, %sign3A_50, %ne3A_58 : vector<256x256xi32>
    %rem3A_60 = vector.broadcast %jit3A_39 : i32 to vector<256x256xi32>
    %rem3A_61 = arith.remsi %iota3A_38, %rem3A_60 : vector<256x256xi32>
    %ne3A_62 = arith.constant 0 : i32
    %ne3A_63 = vector.broadcast %ne3A_62 : i32 to vector<256x256xi32>
    %ne3A_64 = arith.cmpi ne, %rem3A_61, %ne3A_63 : vector<256x256xi32>
    %and3A_65 = arith.andi %ne3A_59, %ne3A_64 : vector<256x256xi1>
    %sub3A_66 = arith.constant 1 : i32
    %sub3A_67 = vector.broadcast %sub3A_66 : i32 to vector<256x256xi32>
    %sub3A_68 = arith.subi %div3A_41, %sub3A_67 : vector<256x256xi32>
    %select_n3A_69 = arith.select %and3A_65, %sub3A_68, %div3A_41 : vector<256x256xi1>, vector<256x256xi32>
    %eq3A = arith.cmpi eq, %select_n3A, %select_n3A_69 : vector<256x256xi32>
    %convert_element_type3A = arith.extui %eq3A : vector<256x256xi1> to vector<256x256xi32>
    %convert_element_type3A_70 = arith.sitofp %convert_element_type3A : vector<256x256xi32> to vector<256x256xf32>
    %dot_general3A = arith.constant dense<0.000000e+00> : vector<1x256xf32>
    %dot_general3A_71 = tpu.matmul %get3A_3, %convert_element_type3A_70, %dot_general3A {dimension_numbers = #tpu.dot_dimension_numbers<[1], [0], [0], [1], [0, 0, 1, 1], [], []>, precision = #tpu.contract_precision<fp32>, transpose_lhs_hint = false} : vector<1x256xf32>, vector<256x256xf32>, vector<1x256xf32> -> vector<1x256xf32>
    %dot_general3A_72 = arith.constant dense<0.000000e+00> : vector<1x256xf32>
    %dot_general3A_73 = tpu.matmul %get3A_8, %convert_element_type3A_70, %dot_general3A_72 {dimension_numbers = #tpu.dot_dimension_numbers<[1], [0], [0], [1], [0, 0, 1, 1], [], []>, precision = #tpu.contract_precision<fp32>, transpose_lhs_hint = false} : vector<1x256xf32>, vector<256x256xf32>, vector<1x256xf32> -> vector<1x256xf32>
    %div3A_74 = arith.constant 1.310720e+05 : f32
    %div3A_75 = vector.broadcast %div3A_74 : f32 to vector<1x256xf32>
    %div3A_76 = arith.divf %dot_general3A_71, %div3A_75 : vector<1x256xf32>
    %div3A_77 = arith.constant 1.310720e+05 : f32
    %div3A_78 = vector.broadcast %div3A_77 : f32 to vector<1x256xf32>
    %div3A_79 = arith.divf %dot_general3A_73, %div3A_78 : vector<1x256xf32>
    %mul3A = arith.mulf %div3A_76, %div3A_76 : vector<1x256xf32>
    %sub3A_80 = arith.subf %div3A_79, %mul3A : vector<1x256xf32>
    %add3A = arith.constant 9.99999974E-6 : f32
    %add3A_81 = vector.broadcast %add3A : f32 to vector<1x256xf32>
    %add3A_82 = arith.addf %sub3A_80, %add3A_81 : vector<1x256xf32>
    %rsqrt3A = math.rsqrt %add3A_82 : vector<1x256xf32>
    %mul3A_83 = arith.mulf %get3A_11, %rsqrt3A : vector<1x256xf32>
    %mul3A_84 = arith.mulf %div3A_76, %mul3A_83 : vector<1x256xf32>
    %sub3A_85 = arith.subf %get3A_14, %mul3A_84 : vector<1x256xf32>
    %squeeze3A = vector.shape_cast %mul3A_83 : vector<1x256xf32> to vector<256xf32>
    %squeeze3A_86 = vector.shape_cast %sub3A_85 : vector<1x256xf32> to vector<256xf32>
    %get3A_87 = arith.constant 0 : index
    %get3A_88 = arith.constant 0 : index
    %get3A_89 = arith.constant 0 : index
    %get3A_90 = vector.load %arg2[%get3A_87, %get3A_88, %get3A_89] : memref<1x8192x128xi32, #tpu.memory_space<vmem>>, vector<1x8192x128xi32>
    %get3A_91 = vector.shape_cast %get3A_90 : vector<1x8192x128xi32> to vector<8192x128xi32>
    %bitcast_convert_type3A = tpu.bitcast %get3A_91 : vector<8192x128xi32> -> vector<8192x128xi32>
    %shift_left3A = arith.constant 16 : i32
    %shift_left3A_92 = vector.broadcast %shift_left3A : i32 to vector<8192x128xi32>
    %shift_left3A_93 = arith.shli %bitcast_convert_type3A, %shift_left3A_92 : vector<8192x128xi32>
    %bitcast_convert_type3A_94 = tpu.bitcast %shift_left3A_93 : vector<8192x128xi32> -> vector<8192x128xf32>
    %and3A_95 = arith.constant -65536 : i32
    %and3A_96 = vector.broadcast %and3A_95 : i32 to vector<8192x128xi32>
    %and3A_97 = arith.andi %bitcast_convert_type3A, %and3A_96 : vector<8192x128xi32>
    %bitcast_convert_type3A_98 = tpu.bitcast %and3A_97 : vector<8192x128xi32> -> vector<8192x128xf32>
    %concatenate3A = tpu.concatenate %bitcast_convert_type3A_94, %bitcast_convert_type3A_98 in 1 : vector<8192x128xf32>, vector<8192x128xf32> -> vector<8192x256xf32>
    %reshape3A = vector.shape_cast %concatenate3A : vector<8192x256xf32> to vector<512x16x256xf32>
    %get3A_99 = arith.constant 0 : index
    %get3A_100 = arith.constant 0 : index
    %get3A_101 = arith.constant 0 : index
    %get3A_102 = vector.load %arg3[%get3A_99, %get3A_100, %get3A_101] : memref<1x512x256xf32, #tpu.memory_space<vmem>>, vector<1x512x256xf32>
    %get3A_103 = vector.shape_cast %get3A_102 : vector<1x512x256xf32> to vector<512x256xf32>
    %broadcast_in_dim3A = vector.shape_cast %get3A_103 : vector<512x256xf32> to vector<512x1x256xf32>
    %add3A_104 = vector.broadcast %broadcast_in_dim3A : vector<512x1x256xf32> to vector<512x16x256xf32>
    %add3A_105 = arith.addf %reshape3A, %add3A_104 : vector<512x16x256xf32>
    %broadcast_in_dim3A_106 = vector.shape_cast %squeeze3A : vector<256xf32> to vector<1x1x256xf32>
    %mul3A_107 = vector.broadcast %broadcast_in_dim3A_106 : vector<1x1x256xf32> to vector<512x16x256xf32>
    %mul3A_108 = arith.mulf %add3A_105, %mul3A_107 : vector<512x16x256xf32>
    %broadcast_in_dim3A_109 = vector.shape_cast %squeeze3A_86 : vector<256xf32> to vector<1x1x256xf32>
    %add3A_110 = vector.broadcast %broadcast_in_dim3A_109 : vector<1x1x256xf32> to vector<512x16x256xf32>
    %add3A_111 = arith.addf %mul3A_108, %add3A_110 : vector<512x16x256xf32>
    %max3A = arith.constant 0.000000e+00 : f32
    %max3A_112 = vector.broadcast %max3A : f32 to vector<512x16x256xf32>
    %max3A_113 = arith.maximumf %add3A_111, %max3A_112 : vector<512x16x256xf32>
    %reshape3A_114 = vector.shape_cast %max3A_113 : vector<512x16x256xf32> to vector<8192x256xf32>
    %get3A_115 = arith.constant 0 : index
    %get3A_116 = arith.constant 0 : index
    %get3A_117 = vector.load %arg8[%get3A_115, %get3A_116] : memref<256x256xf32, #tpu.memory_space<vmem>>, vector<256x256xf32>
    %dot_general3A_118 = arith.constant dense<0.000000e+00> : vector<8192x256xf32>
    %dot_general3A_119 = tpu.matmul %reshape3A_114, %get3A_117, %dot_general3A_118 {dimension_numbers = #tpu.dot_dimension_numbers<[1], [1], [0], [0], [0, 0, 1, 0], [], []>, transpose_lhs_hint = false} : vector<8192x256xf32>, vector<256x256xf32>, vector<8192x256xf32> -> vector<8192x256xf32>
    %get3A_120 = arith.constant 0 : index
    %get3A_121 = arith.constant 0 : index
    %get3A_122 = vector.load %arg9[%get3A_120, %get3A_121] : memref<1x256xf32, #tpu.memory_space<vmem>>, vector<1x256xf32>
    %add3A_123 = vector.broadcast %get3A_122 : vector<1x256xf32> to vector<8192x256xf32>
    %add3A_124 = arith.addf %dot_general3A_119, %add3A_123 : vector<8192x256xf32>
    %slice3A = vector.extract_strided_slice %add3A_124 {offsets = [0, 0], sizes = [8192, 128], strides = [1, 1]} : vector<8192x256xf32> to vector<8192x128xf32>
    %slice3A_125 = vector.extract_strided_slice %add3A_124 {offsets = [0, 128], sizes = [8192, 128], strides = [1, 1]} : vector<8192x256xf32> to vector<8192x128xf32>
    %convert_element_type3A_126 = arith.truncf %slice3A : vector<8192x128xf32> to vector<8192x128xbf16>
    %convert_element_type3A_127 = arith.extf %convert_element_type3A_126 : vector<8192x128xbf16> to vector<8192x128xf32>
    %bitcast_convert_type3A_128 = tpu.bitcast %convert_element_type3A_127 : vector<8192x128xf32> -> vector<8192x128xi32>
    %shift_right_logical3A = arith.constant 16 : i32
    %shift_right_logical3A_129 = vector.broadcast %shift_right_logical3A : i32 to vector<8192x128xi32>
    %shift_right_logical3A_130 = arith.shrui %bitcast_convert_type3A_128, %shift_right_logical3A_129 : vector<8192x128xi32>
    %convert_element_type3A_131 = arith.truncf %slice3A_125 : vector<8192x128xf32> to vector<8192x128xbf16>
    %convert_element_type3A_132 = arith.extf %convert_element_type3A_131 : vector<8192x128xbf16> to vector<8192x128xf32>
    %bitcast_convert_type3A_133 = tpu.bitcast %convert_element_type3A_132 : vector<8192x128xf32> -> vector<8192x128xi32>
    %and3A_134 = arith.constant -65536 : i32
    %and3A_135 = vector.broadcast %and3A_134 : i32 to vector<8192x128xi32>
    %and3A_136 = arith.andi %bitcast_convert_type3A_133, %and3A_135 : vector<8192x128xi32>
    %or3A = arith.ori %shift_right_logical3A_130, %and3A_136 : vector<8192x128xi32>
    %bitcast_convert_type3A_137 = tpu.bitcast %or3A : vector<8192x128xi32> -> vector<8192x128xi32>
    %swap3A = arith.constant 0 : index
    %swap3A_138 = arith.constant 0 : index
    %swap3A_139 = arith.constant 0 : index
    %swap3A_140 = vector.load %arg10[%swap3A, %swap3A_138, %swap3A_139] : memref<1x8192x128xi32, #tpu.memory_space<vmem>>, vector<1x8192x128xi32>
    %swap3A_141 = vector.shape_cast %swap3A_140 : vector<1x8192x128xi32> to vector<8192x128xi32>
    %swap3A_142 = vector.shape_cast %bitcast_convert_type3A_137 : vector<8192x128xi32> to vector<1x8192x128xi32>
    tpu.vector_store %arg10[%swap3A, %swap3A_138, %swap3A_139], %swap3A_142 {strides = array<i32>} : memref<1x8192x128xi32, #tpu.memory_space<vmem>>, vector<1x8192x128xi32>,
    %reduce_sum3A = arith.constant dense<0.000000e+00> : vector<256xf32>
    %reduce_sum3A_143 = vector.multi_reduction <add>, %add3A_124, %reduce_sum3A [0] : vector<8192x256xf32> to vector<256xf32>
    %mul3A_144 = arith.mulf %add3A_124, %add3A_124 : vector<8192x256xf32>
    %reduce_sum3A_145 = arith.constant dense<0.000000e+00> : vector<256xf32>
    %reduce_sum3A_146 = vector.multi_reduction <add>, %mul3A_144, %reduce_sum3A_145 [0] : vector<8192x256xf32> to vector<256xf32>
    %eq3A_147 = arith.constant 0 : i32
    %eq3A_148 = arith.cmpi eq, %arg1, %eq3A_147 : i32
    %convert_element_type3A_149 = arith.extui %eq3A_148 : i1 to i32
    %cond3A = arith.constant 0 : i32
    %cond3A_150 = arith.cmpi ne, %convert_element_type3A_149, %cond3A : i32
    scf.if %cond3A_150 {
      %swap3A_155 = arith.constant 0 : index
      %swap3A_156 = arith.constant 0 : index
      %swap3A_157 = arith.constant 0 : index
      %swap3A_158 = vector.load %arg11[%swap3A_155, %swap3A_156, %swap3A_157] : memref<1x1x256xf32, #tpu.memory_space<vmem>>, vector<1x1x256xf32>
      %swap3A_159 = vector.shape_cast %swap3A_158 : vector<1x1x256xf32> to vector<256xf32>
      %swap3A_160 = vector.shape_cast %reduce_sum3A_143 : vector<256xf32> to vector<1x1x256xf32>
      tpu.vector_store %arg11[%swap3A_155, %swap3A_156, %swap3A_157], %swap3A_160 {strides = array<i32>} : memref<1x1x256xf32, #tpu.memory_space<vmem>>, vector<1x1x256xf32>,
      %swap3A_161 = arith.constant 0 : index
      %swap3A_162 = arith.constant 0 : index
      %swap3A_163 = arith.constant 0 : index
      %swap3A_164 = vector.load %arg12[%swap3A_161, %swap3A_162, %swap3A_163] : memref<1x1x256xf32, #tpu.memory_space<vmem>>, vector<1x1x256xf32>
      %swap3A_165 = vector.shape_cast %swap3A_164 : vector<1x1x256xf32> to vector<256xf32>
      %swap3A_166 = vector.shape_cast %reduce_sum3A_146 : vector<256xf32> to vector<1x1x256xf32>
      tpu.vector_store %arg12[%swap3A_161, %swap3A_162, %swap3A_163], %swap3A_166 {strides = array<i32>} : memref<1x1x256xf32, #tpu.memory_space<vmem>>, vector<1x1x256xf32>,
    } else {
    }
    %gt3A = arith.constant 0 : i32
    %gt3A_151 = arith.cmpi sgt, %arg1, %gt3A : i32
    %convert_element_type3A_152 = arith.extui %gt3A_151 : i1 to i32
    %cond3A_153 = arith.constant 0 : i32
    %cond3A_154 = arith.cmpi ne, %convert_element_type3A_152, %cond3A_153 : i32
    scf.if %cond3A_154 {
      %get3A_155 = arith.constant 0 : index
      %get3A_156 = arith.constant 0 : index
      %get3A_157 = arith.constant 0 : index
      %get3A_158 = vector.load %arg11[%get3A_155, %get3A_156, %get3A_157] : memref<1x1x256xf32, #tpu.memory_space<vmem>>, vector<1x1x256xf32>
      %get3A_159 = vector.shape_cast %get3A_158 : vector<1x1x256xf32> to vector<256xf32>
      %add3A_160 = arith.addf %get3A_159, %reduce_sum3A_143 : vector<256xf32>
      %swap3A_161 = arith.constant 0 : index
      %swap3A_162 = arith.constant 0 : index
      %swap3A_163 = arith.constant 0 : index
      %swap3A_164 = vector.load %arg11[%swap3A_161, %swap3A_162, %swap3A_163] : memref<1x1x256xf32, #tpu.memory_space<vmem>>, vector<1x1x256xf32>
      %swap3A_165 = vector.shape_cast %swap3A_164 : vector<1x1x256xf32> to vector<256xf32>
      %swap3A_166 = vector.shape_cast %add3A_160 : vector<256xf32> to vector<1x1x256xf32>
      tpu.vector_store %arg11[%swap3A_161, %swap3A_162, %swap3A_163], %swap3A_166 {strides = array<i32>} : memref<1x1x256xf32, #tpu.memory_space<vmem>>, vector<1x1x256xf32>,
      %get3A_167 = arith.constant 0 : index
      %get3A_168 = arith.constant 0 : index
      %get3A_169 = arith.constant 0 : index
      %get3A_170 = vector.load %arg12[%get3A_167, %get3A_168, %get3A_169] : memref<1x1x256xf32, #tpu.memory_space<vmem>>, vector<1x1x256xf32>
      %get3A_171 = vector.shape_cast %get3A_170 : vector<1x1x256xf32> to vector<256xf32>
      %add3A_172 = arith.addf %get3A_171, %reduce_sum3A_146 : vector<256xf32>
      %swap3A_173 = arith.constant 0 : index
      %swap3A_174 = arith.constant 0 : index
      %swap3A_175 = arith.constant 0 : index
      %swap3A_176 = vector.load %arg12[%swap3A_173, %swap3A_174, %swap3A_175] : memref<1x1x256xf32, #tpu.memory_space<vmem>>, vector<1x1x256xf32>
      %swap3A_177 = vector.shape_cast %swap3A_176 : vector<1x1x256xf32> to vector<256xf32>
      %swap3A_178 = vector.shape_cast %add3A_172 : vector<256xf32> to vector<1x1x256xf32>
      tpu.vector_store %arg12[%swap3A_173, %swap3A_174, %swap3A_175], %swap3A_178 {strides = array<i32>} : memref<1x1x256xf32, #tpu.memory_space<vmem>>, vector<1x1x256xf32>,
    } else {
    }
    return
  }
  func.func @transform_0(%arg0: i32, %arg1: i32) -> (i32, i32, i32) {
    %c0_i32 = arith.constant 0 : i32
    %c0_i32_0 = arith.constant 0 : i32
    return %arg0, %arg1, %c0_i32 : i32, i32, i32
  }
  func.func @transform_1(%arg0: i32, %arg1: i32) -> (i32, i32, i32) {
    %c0_i32 = arith.constant 0 : i32
    %c0_i32_0 = arith.constant 0 : i32
    return %arg0, %arg1, %c0_i32 : i32, i32, i32
  }
  func.func @transform_2(%arg0: i32, %arg1: i32) -> (i32, i32, i32) {
    %c0_i32 = arith.constant 0 : i32
    %c0_i32_0 = arith.constant 0 : i32
    %c0_i32_1 = arith.constant 0 : i32
    return %arg0, %c0_i32, %c0_i32_0 : i32, i32, i32
  }
  func.func @transform_3(%arg0: i32, %arg1: i32) -> (i32, i32, i32) {
    %c0_i32 = arith.constant 0 : i32
    %c0_i32_0 = arith.constant 0 : i32
    %c0_i32_1 = arith.constant 0 : i32
    return %arg0, %c0_i32, %c0_i32_0 : i32, i32, i32
  }
  func.func @transform_4(%arg0: i32, %arg1: i32) -> (i32, i32) {
    %c0_i32 = arith.constant 0 : i32
    %c0_i32_0 = arith.constant 0 : i32
    %c0_i32_1 = arith.constant 0 : i32
    return %c0_i32, %c0_i32_0 : i32, i32
  }
  func.func @transform_5(%arg0: i32, %arg1: i32) -> (i32, i32) {
    %c0_i32 = arith.constant 0 : i32
    %c0_i32_0 = arith.constant 0 : i32
    %c0_i32_1 = arith.constant 0 : i32
    return %c0_i32, %c0_i32_0 : i32, i32
  }
  func.func @transform_6(%arg0: i32, %arg1: i32) -> (i32, i32) {
    %c0_i32 = arith.constant 0 : i32
    %c0_i32_0 = arith.constant 0 : i32
    %c0_i32_1 = arith.constant 0 : i32
    return %c0_i32, %c0_i32_0 : i32, i32
  }
  func.func @transform_7(%arg0: i32, %arg1: i32) -> (i32, i32) {
    %c0_i32 = arith.constant 0 : i32
    %c0_i32_0 = arith.constant 0 : i32
    %c0_i32_1 = arith.constant 0 : i32
    return %c0_i32, %c0_i32_0 : i32, i32
  }
  func.func @transform_8(%arg0: i32, %arg1: i32) -> (i32, i32, i32) {
    %c0_i32 = arith.constant 0 : i32
    %c0_i32_0 = arith.constant 0 : i32
    return %arg0, %arg1, %c0_i32 : i32, i32, i32
  }
  func.func @transform_9(%arg0: i32, %arg1: i32) -> (i32, i32, i32) {
    %c0_i32 = arith.constant 0 : i32
    %c0_i32_0 = arith.constant 0 : i32
    %c0_i32_1 = arith.constant 0 : i32
    return %arg0, %c0_i32, %c0_i32_0 : i32, i32, i32
  }
  func.func @transform_10(%arg0: i32, %arg1: i32) -> (i32, i32, i32) {
    %c0_i32 = arith.constant 0 : i32
    %c0_i32_0 = arith.constant 0 : i32
    %c0_i32_1 = arith.constant 0 : i32
    return %arg0, %c0_i32, %c0_i32_0 : i32, i32, i32
  }
}

module attributes {stable_mosaic.version = 14 : i64} {
  func.func @_stage_e_body(%arg0: i32, %arg1: i32, %arg2: memref<1x8192x128xi32, #tpu.memory_space<vmem>>, %arg3: memref<1x1x256xf32, #tpu.memory_space<vmem>>, %arg4: memref<1x1x256xf32, #tpu.memory_space<vmem>>, %arg5: memref<1x256xf32, #tpu.memory_space<vmem>>, %arg6: memref<1x256xf32, #tpu.memory_space<vmem>>, %arg7: memref<1x256x512xf32, #tpu.memory_space<vmem>>, %arg8: memref<1x256x512xf32, #tpu.memory_space<vmem>>) attributes {dimension_semantics = [#tpu.dimension_semantics<arbitrary>, #tpu.dimension_semantics<arbitrary>], iteration_bounds = array<i64: 4, 2>, scalar_prefetch = 0 : i64, scratch_operands = 0 : i64, tpu.core_type = #tpu.core_type<tc>, window_params = [{transform_indices = @transform_0, window_bounds = array<i64: 1, 8192, 128>}, {transform_indices = @transform_1, window_bounds = array<i64: 1, 1, 256>}, {transform_indices = @transform_2, window_bounds = array<i64: 1, 1, 256>}, {pipeline_mode = #tpu.pipeline_mode<synchronous>, transform_indices = @transform_3, window_bounds = array<i64: 1, 256>}, {pipeline_mode = #tpu.pipeline_mode<synchronous>, transform_indices = @transform_4, window_bounds = array<i64: 1, 256>}, {transform_indices = @transform_5, window_bounds = array<i64: 1, 256, 512>}, {transform_indices = @transform_6, window_bounds = array<i64: 1, 256, 512>}]} {
    %get3A = arith.constant 0 : index
    %get3A_0 = arith.constant 0 : index
    %get3A_1 = arith.constant 0 : index
    %get3A_2 = vector.load %arg3[%get3A, %get3A_0, %get3A_1] : memref<1x1x256xf32, #tpu.memory_space<vmem>>, vector<1x1x256xf32>
    %get3A_3 = vector.shape_cast %get3A_2 : vector<1x1x256xf32> to vector<1x256xf32>
    %get3A_4 = arith.constant 0 : index
    %get3A_5 = arith.constant 0 : index
    %get3A_6 = arith.constant 0 : index
    %get3A_7 = vector.load %arg4[%get3A_4, %get3A_5, %get3A_6] : memref<1x1x256xf32, #tpu.memory_space<vmem>>, vector<1x1x256xf32>
    %get3A_8 = vector.shape_cast %get3A_7 : vector<1x1x256xf32> to vector<1x256xf32>
    %get3A_9 = arith.constant 0 : index
    %get3A_10 = arith.constant 0 : index
    %get3A_11 = vector.load %arg5[%get3A_9, %get3A_10] : memref<1x256xf32, #tpu.memory_space<vmem>>, vector<1x256xf32>
    %get3A_12 = arith.constant 0 : index
    %get3A_13 = arith.constant 0 : index
    %get3A_14 = vector.load %arg6[%get3A_12, %get3A_13] : memref<1x256xf32, #tpu.memory_space<vmem>>, vector<1x256xf32>
    %iota3A = tpu.iota {dimensions = array<i32: 0>} : vector<256x256xi32>
    %jit3A = arith.constant 8 : i32
    %div3A = vector.broadcast %jit3A : i32 to vector<256x256xi32>
    %div3A_15 = arith.divsi %iota3A, %div3A : vector<256x256xi32>
    %sign3A = arith.constant 0 : i32
    %sign3A_16 = vector.broadcast %sign3A : i32 to vector<256x256xi32>
    %sign3A_17 = arith.cmpi sgt, %iota3A, %sign3A_16 : vector<256x256xi32>
    %sign3A_18 = arith.extui %sign3A_17 : vector<256x256xi1> to vector<256x256xi32>
    %sign3A_19 = arith.constant 0 : i32
    %sign3A_20 = vector.broadcast %sign3A_19 : i32 to vector<256x256xi32>
    %sign3A_21 = arith.cmpi slt, %iota3A, %sign3A_20 : vector<256x256xi32>
    %sign3A_22 = arith.extui %sign3A_21 : vector<256x256xi1> to vector<256x256xi32>
    %sign3A_23 = arith.subi %sign3A_18, %sign3A_22 : vector<256x256xi32>
    %sign3A_24 = arith.constant 0 : i32
    %sign3A_25 = arith.cmpi sgt, %jit3A, %sign3A_24 : i32
    %sign3A_26 = arith.extui %sign3A_25 : i1 to i32
    %sign3A_27 = arith.constant 0 : i32
    %sign3A_28 = arith.cmpi slt, %jit3A, %sign3A_27 : i32
    %sign3A_29 = arith.extui %sign3A_28 : i1 to i32
    %sign3A_30 = arith.subi %sign3A_26, %sign3A_29 : i32
    %ne3A = vector.broadcast %sign3A_30 : i32 to vector<256x256xi32>
    %ne3A_31 = arith.cmpi ne, %sign3A_23, %ne3A : vector<256x256xi32>
    %rem3A = vector.broadcast %jit3A : i32 to vector<256x256xi32>
    %rem3A_32 = arith.remsi %iota3A, %rem3A : vector<256x256xi32>
    %ne3A_33 = arith.constant 0 : i32
    %ne3A_34 = vector.broadcast %ne3A_33 : i32 to vector<256x256xi32>
    %ne3A_35 = arith.cmpi ne, %rem3A_32, %ne3A_34 : vector<256x256xi32>
    %and3A = arith.andi %ne3A_31, %ne3A_35 : vector<256x256xi1>
    %sub3A = arith.constant 1 : i32
    %sub3A_36 = vector.broadcast %sub3A : i32 to vector<256x256xi32>
    %sub3A_37 = arith.subi %div3A_15, %sub3A_36 : vector<256x256xi32>
    %select_n3A = arith.select %and3A, %sub3A_37, %div3A_15 : vector<256x256xi1>, vector<256x256xi32>
    %iota3A_38 = tpu.iota {dimensions = array<i32: 1>} : vector<256x256xi32>
    %jit3A_39 = arith.constant 8 : i32
    %div3A_40 = vector.broadcast %jit3A_39 : i32 to vector<256x256xi32>
    %div3A_41 = arith.divsi %iota3A_38, %div3A_40 : vector<256x256xi32>
    %sign3A_42 = arith.constant 0 : i32
    %sign3A_43 = vector.broadcast %sign3A_42 : i32 to vector<256x256xi32>
    %sign3A_44 = arith.cmpi sgt, %iota3A_38, %sign3A_43 : vector<256x256xi32>
    %sign3A_45 = arith.extui %sign3A_44 : vector<256x256xi1> to vector<256x256xi32>
    %sign3A_46 = arith.constant 0 : i32
    %sign3A_47 = vector.broadcast %sign3A_46 : i32 to vector<256x256xi32>
    %sign3A_48 = arith.cmpi slt, %iota3A_38, %sign3A_47 : vector<256x256xi32>
    %sign3A_49 = arith.extui %sign3A_48 : vector<256x256xi1> to vector<256x256xi32>
    %sign3A_50 = arith.subi %sign3A_45, %sign3A_49 : vector<256x256xi32>
    %sign3A_51 = arith.constant 0 : i32
    %sign3A_52 = arith.cmpi sgt, %jit3A_39, %sign3A_51 : i32
    %sign3A_53 = arith.extui %sign3A_52 : i1 to i32
    %sign3A_54 = arith.constant 0 : i32
    %sign3A_55 = arith.cmpi slt, %jit3A_39, %sign3A_54 : i32
    %sign3A_56 = arith.extui %sign3A_55 : i1 to i32
    %sign3A_57 = arith.subi %sign3A_53, %sign3A_56 : i32
    %ne3A_58 = vector.broadcast %sign3A_57 : i32 to vector<256x256xi32>
    %ne3A_59 = arith.cmpi ne, %sign3A_50, %ne3A_58 : vector<256x256xi32>
    %rem3A_60 = vector.broadcast %jit3A_39 : i32 to vector<256x256xi32>
    %rem3A_61 = arith.remsi %iota3A_38, %rem3A_60 : vector<256x256xi32>
    %ne3A_62 = arith.constant 0 : i32
    %ne3A_63 = vector.broadcast %ne3A_62 : i32 to vector<256x256xi32>
    %ne3A_64 = arith.cmpi ne, %rem3A_61, %ne3A_63 : vector<256x256xi32>
    %and3A_65 = arith.andi %ne3A_59, %ne3A_64 : vector<256x256xi1>
    %sub3A_66 = arith.constant 1 : i32
    %sub3A_67 = vector.broadcast %sub3A_66 : i32 to vector<256x256xi32>
    %sub3A_68 = arith.subi %div3A_41, %sub3A_67 : vector<256x256xi32>
    %select_n3A_69 = arith.select %and3A_65, %sub3A_68, %div3A_41 : vector<256x256xi1>, vector<256x256xi32>
    %eq3A = arith.cmpi eq, %select_n3A, %select_n3A_69 : vector<256x256xi32>
    %convert_element_type3A = arith.extui %eq3A : vector<256x256xi1> to vector<256x256xi32>
    %convert_element_type3A_70 = arith.sitofp %convert_element_type3A : vector<256x256xi32> to vector<256x256xf32>
    %dot_general3A = arith.constant dense<0.000000e+00> : vector<1x256xf32>
    %dot_general3A_71 = tpu.matmul %get3A_3, %convert_element_type3A_70, %dot_general3A {dimension_numbers = #tpu.dot_dimension_numbers<[1], [0], [0], [1], [0, 0, 1, 1], [], []>, precision = #tpu.contract_precision<fp32>, transpose_lhs_hint = false} : vector<1x256xf32>, vector<256x256xf32>, vector<1x256xf32> -> vector<1x256xf32>
    %dot_general3A_72 = arith.constant dense<0.000000e+00> : vector<1x256xf32>
    %dot_general3A_73 = tpu.matmul %get3A_8, %convert_element_type3A_70, %dot_general3A_72 {dimension_numbers = #tpu.dot_dimension_numbers<[1], [0], [0], [1], [0, 0, 1, 1], [], []>, precision = #tpu.contract_precision<fp32>, transpose_lhs_hint = false} : vector<1x256xf32>, vector<256x256xf32>, vector<1x256xf32> -> vector<1x256xf32>
    %div3A_74 = arith.constant 1.310720e+05 : f32
    %div3A_75 = vector.broadcast %div3A_74 : f32 to vector<1x256xf32>
    %div3A_76 = arith.divf %dot_general3A_71, %div3A_75 : vector<1x256xf32>
    %div3A_77 = arith.constant 1.310720e+05 : f32
    %div3A_78 = vector.broadcast %div3A_77 : f32 to vector<1x256xf32>
    %div3A_79 = arith.divf %dot_general3A_73, %div3A_78 : vector<1x256xf32>
    %mul3A = arith.mulf %div3A_76, %div3A_76 : vector<1x256xf32>
    %sub3A_80 = arith.subf %div3A_79, %mul3A : vector<1x256xf32>
    %add3A = arith.constant 9.99999974E-6 : f32
    %add3A_81 = vector.broadcast %add3A : f32 to vector<1x256xf32>
    %add3A_82 = arith.addf %sub3A_80, %add3A_81 : vector<1x256xf32>
    %rsqrt3A = math.rsqrt %add3A_82 : vector<1x256xf32>
    %mul3A_83 = arith.mulf %get3A_11, %rsqrt3A : vector<1x256xf32>
    %mul3A_84 = arith.mulf %div3A_76, %mul3A_83 : vector<1x256xf32>
    %sub3A_85 = arith.subf %get3A_14, %mul3A_84 : vector<1x256xf32>
    %squeeze3A = vector.shape_cast %mul3A_83 : vector<1x256xf32> to vector<256xf32>
    %squeeze3A_86 = vector.shape_cast %sub3A_85 : vector<1x256xf32> to vector<256xf32>
    %get3A_87 = arith.constant 0 : index
    %get3A_88 = arith.constant 0 : index
    %get3A_89 = arith.constant 0 : index
    %get3A_90 = vector.load %arg2[%get3A_87, %get3A_88, %get3A_89] : memref<1x8192x128xi32, #tpu.memory_space<vmem>>, vector<1x8192x128xi32>
    %get3A_91 = vector.shape_cast %get3A_90 : vector<1x8192x128xi32> to vector<8192x128xi32>
    %bitcast_convert_type3A = tpu.bitcast %get3A_91 : vector<8192x128xi32> -> vector<8192x128xi32>
    %shift_left3A = arith.constant 16 : i32
    %shift_left3A_92 = vector.broadcast %shift_left3A : i32 to vector<8192x128xi32>
    %shift_left3A_93 = arith.shli %bitcast_convert_type3A, %shift_left3A_92 : vector<8192x128xi32>
    %bitcast_convert_type3A_94 = tpu.bitcast %shift_left3A_93 : vector<8192x128xi32> -> vector<8192x128xf32>
    %and3A_95 = arith.constant -65536 : i32
    %and3A_96 = vector.broadcast %and3A_95 : i32 to vector<8192x128xi32>
    %and3A_97 = arith.andi %bitcast_convert_type3A, %and3A_96 : vector<8192x128xi32>
    %bitcast_convert_type3A_98 = tpu.bitcast %and3A_97 : vector<8192x128xi32> -> vector<8192x128xf32>
    %concatenate3A = tpu.concatenate %bitcast_convert_type3A_94, %bitcast_convert_type3A_98 in 1 : vector<8192x128xf32>, vector<8192x128xf32> -> vector<8192x256xf32>
    %reshape3A = vector.shape_cast %concatenate3A : vector<8192x256xf32> to vector<512x16x256xf32>
    %broadcast_in_dim3A = vector.shape_cast %squeeze3A : vector<256xf32> to vector<1x1x256xf32>
    %mul3A_99 = vector.broadcast %broadcast_in_dim3A : vector<1x1x256xf32> to vector<512x16x256xf32>
    %mul3A_100 = arith.mulf %reshape3A, %mul3A_99 : vector<512x16x256xf32>
    %broadcast_in_dim3A_101 = vector.shape_cast %squeeze3A_86 : vector<256xf32> to vector<1x1x256xf32>
    %add3A_102 = vector.broadcast %broadcast_in_dim3A_101 : vector<1x1x256xf32> to vector<512x16x256xf32>
    %add3A_103 = arith.addf %mul3A_100, %add3A_102 : vector<512x16x256xf32>
    %max3A = arith.constant 0.000000e+00 : f32
    %max3A_104 = vector.broadcast %max3A : f32 to vector<512x16x256xf32>
    %max3A_105 = arith.maximumf %add3A_103, %max3A_104 : vector<512x16x256xf32>
    %reduce_max3A = arith.constant dense<0xFF800000> : vector<512x256xf32>
    %reduce_max3A_106 = vector.multi_reduction <maximumf>, %max3A_105, %reduce_max3A [1] : vector<512x16x256xf32> to vector<512x256xf32>
    %iota3A_107 = tpu.iota {dimensions = array<i32: 0>} : vector<512x512xi32>
    %iota3A_108 = tpu.iota {dimensions = array<i32: 1>} : vector<512x512xi32>
    %eq3A_109 = arith.cmpi eq, %iota3A_107, %iota3A_108 : vector<512x512xi32>
    %convert_element_type3A_110 = arith.extui %eq3A_109 : vector<512x512xi1> to vector<512x512xi32>
    %convert_element_type3A_111 = arith.sitofp %convert_element_type3A_110 : vector<512x512xi32> to vector<512x512xf32>
    %dot_general3A_112 = arith.constant dense<0.000000e+00> : vector<256x512xf32>
    %dot_general3A_113 = tpu.matmul %reduce_max3A_106, %convert_element_type3A_111, %dot_general3A_112 {dimension_numbers = #tpu.dot_dimension_numbers<[0], [0], [1], [1], [0, 1, 1, 1], [], []>, precision = #tpu.contract_precision<fp32>, transpose_lhs_hint = false} : vector<512x256xf32>, vector<512x512xf32>, vector<256x512xf32> -> vector<256x512xf32>
    %get3A_114 = arith.constant 0 : index
    %get3A_115 = arith.constant 0 : index
    %get3A_116 = arith.constant 0 : index
    %get3A_117 = vector.load %arg7[%get3A_114, %get3A_115, %get3A_116] : memref<1x256x512xf32, #tpu.memory_space<vmem>>, vector<1x256x512xf32>
    %get3A_118 = vector.shape_cast %get3A_117 : vector<1x256x512xf32> to vector<256x512xf32>
    %add3A_119 = arith.addf %dot_general3A_113, %get3A_118 : vector<256x512xf32>
    %swap3A = arith.constant 0 : index
    %swap3A_120 = arith.constant 0 : index
    %swap3A_121 = arith.constant 0 : index
    %swap3A_122 = vector.load %arg8[%swap3A, %swap3A_120, %swap3A_121] : memref<1x256x512xf32, #tpu.memory_space<vmem>>, vector<1x256x512xf32>
    %swap3A_123 = vector.shape_cast %swap3A_122 : vector<1x256x512xf32> to vector<256x512xf32>
    %swap3A_124 = vector.shape_cast %add3A_119 : vector<256x512xf32> to vector<1x256x512xf32>
    tpu.vector_store %arg8[%swap3A, %swap3A_120, %swap3A_121], %swap3A_124 {strides = array<i32>} : memref<1x256x512xf32, #tpu.memory_space<vmem>>, vector<1x256x512xf32>,
    return
  }
  func.func @transform_0(%arg0: i32, %arg1: i32) -> (i32, i32, i32) {
    %c0_i32 = arith.constant 0 : i32
    %c0_i32_0 = arith.constant 0 : i32
    return %arg0, %arg1, %c0_i32 : i32, i32, i32
  }
  func.func @transform_1(%arg0: i32, %arg1: i32) -> (i32, i32, i32) {
    %c0_i32 = arith.constant 0 : i32
    %c0_i32_0 = arith.constant 0 : i32
    %c0_i32_1 = arith.constant 0 : i32
    return %arg0, %c0_i32, %c0_i32_0 : i32, i32, i32
  }
  func.func @transform_2(%arg0: i32, %arg1: i32) -> (i32, i32, i32) {
    %c0_i32 = arith.constant 0 : i32
    %c0_i32_0 = arith.constant 0 : i32
    %c0_i32_1 = arith.constant 0 : i32
    return %arg0, %c0_i32, %c0_i32_0 : i32, i32, i32
  }
  func.func @transform_3(%arg0: i32, %arg1: i32) -> (i32, i32) {
    %c0_i32 = arith.constant 0 : i32
    %c0_i32_0 = arith.constant 0 : i32
    %c0_i32_1 = arith.constant 0 : i32
    return %c0_i32, %c0_i32_0 : i32, i32
  }
  func.func @transform_4(%arg0: i32, %arg1: i32) -> (i32, i32) {
    %c0_i32 = arith.constant 0 : i32
    %c0_i32_0 = arith.constant 0 : i32
    %c0_i32_1 = arith.constant 0 : i32
    return %c0_i32, %c0_i32_0 : i32, i32
  }
  func.func @transform_5(%arg0: i32, %arg1: i32) -> (i32, i32, i32) {
    %c0_i32 = arith.constant 0 : i32
    %c0_i32_0 = arith.constant 0 : i32
    return %arg0, %c0_i32, %arg1 : i32, i32, i32
  }
  func.func @transform_6(%arg0: i32, %arg1: i32) -> (i32, i32, i32) {
    %c0_i32 = arith.constant 0 : i32
    %c0_i32_0 = arith.constant 0 : i32
    return %arg0, %c0_i32, %arg1 : i32, i32, i32
  }
}

</mosaic_0001>

<sc_bundles>
// kernel: kernel.7.cloned.1.call-start
scs
__scs_entry_jumppad:
0x0: {  	(pc) =	sbr.rel $0x88, $3  }
0x1: {  	(tag) =	ssettag $0x0;
	lr =	simm.s32 $0x1  }
0x2: {  	[smem:$0x3F98] =	sst lr;
	_ =	strace $0xD0000000  }
0x3: {  	_ = 	snop  }
0x4: {  	_ = 	snop  }
0x5: {  	_ = 	snop  }
0x6: {  	_ = 	snop  }
0x7: {  	_ = 	snop  }
__scs_overlays_trampoline_lowered:
0x8: {  	[smem:$0x3FA7] =	sst s0  }
0x9: {  	[smem:$0x3FA8] =	sst s1  }
0xa: {  	[smem:$0x3FA9] =	sst s2  }
0xb: {  	[smem:$0x3FAA] =	sst s3  }
0xc: {  	[smem:$0x3FAB] =	sst s4  }
0xd: {  	[smem:$0x3FAC] =	sst s5  }
0xe: {  	[smem:$0x3FAD] =	sst s6  }
0xf: {  	[smem:$0x3FAE] =	sst s7  }
0x10: {  	[smem:$0x3FAF] =	sst s8  }
0x11: {  	[smem:$0x3FB0] =	sst s9;
	s0 =	simm.s32 @!p0 $0x0  }
0x12: {  	s1 =	sld [smem:$0x3F96];
	s0 =	simm.s32 @p0 $0x1  }
0x13: {  	[smem:$0x3FB1] =	sst s0;
	s0 =	simm.s32 @!p1 $0x0  }
0x14: {  	s2 =	sld [smem:$0x3F95];
	s0 =	simm.s32 @p1 $0x1  }
0x15: {  	[smem:$0x3FB2] =	sst s0;
	s0 =	simm.s32 @!p2 $0x0  }
0x16: {  	s3 =	sld [smem:$0x3FDB];
	s0 =	simm.s32 @p2 $0x1  }
0x17: {  	s4 =	simm.s32 $0x1BF5;
	[smem:$0x3FB4] =	sst s0  }
0x18: {  	s0 =	sld [smem:$0x3F97];
	_ =	swait.ge [sflag:s4], $0x0  }
0x19: {  	s7 =	sld [smem:$0x3F98]  }
0x1a: {  	s8 =	sadd.s32 $0xFFFFE003, lr  }
0x1b: {  	s9 =	sadd.s32 $0xFFFFFEF7, lr;
	s5 =	simm.s32 $0xFFFFFFFF;
	p2 =	slt.u32 s8, $0xFFFFF086  }
0x1c: {  	p1 =	slt.u32 s9, $0xF7A;
	s5 =	simm.s32 @!p2 $0x0  }
0x1d: {  	s5 =	simm.s32 @p1 $0x1;
	p0 =	seq.s32 s7, s2  }
0x1e: {  	s7 =	smul.u32 @!p0 $0xF7A, s2;
	p2 =	seq.s32 @!p0 s5, $0x0  }
0x1f: {  	s9 =	smul.u32 $0xF7A, s1;
	s8 =	simm.s32 @!p0 $0x1BF5;
	p2 =	por !p2, p0  }
0x20: {  	[sflag:s8] =	ssyncset.s32 @!p0 $0xFFFFF086;
	s6 =	sadd.s32 @!p0 s3, s7;
	s7 =	simm.s32 @!p0 $0x108  }
0x21: {  	s3 =	sadd.s32 s3, s9;
	s6 =	sadd.s32 @!p0 $0x88, s6;
	s7 =	simm.s32 @p2 $0x1082  }
0x22: {  	[simem:s7], [sflag:s8] =	dma.local @!p0 [hbm:s6], $0xF7A  }
0x23: {  	s9 =	sor.u32 $0xD0000000, s2;
	s6 =	simm.s32 $0x108;
	_ =	swait.ge @!p0 [sflag:s8], $0x0  }
0x24: {  	s3 =	sadd.s32 $0x88, s3;
	s6 =	simm.s32 @!p1 $0x1082;
	[sflag:s4] =	ssyncset.s32 $0xFFFFF086  }
0x25: {  	[simem:s6], [sflag:s4] =	dma.local [hbm:s3], $0xF7A  }
0x26: {  	[smem:$0x3F98] =	sst s1;
	(tag) =	ssettag s2;
	_ =	strace s9  }
0x27: {  	s1 =	sld [smem:$0x3FA8]  }
0x28: {  	s2 =	sld [smem:$0x3FA9]  }
0x29: {  	s4 =	sld [smem:$0x3FAB]  }
0x2a: {  	p0 =	seq.s32 s5, $0x0;
	s5 =	sld [smem:$0x3FAC]  }
0x2b: {  	s6 =	sld [smem:$0x3FAD]  }
0x2c: {  	s7 =	sld [smem:$0x3FAE]  }
0x2d: {  	s3 =	simm.s32 $0x108;
	s8 =	sld [smem:$0x3FAF]  }
0x2e: {  	s3 =	simm.s32 @!p0 $0x1082;
	s9 =	sld [smem:$0x3FB0]  }
0x2f: {  	lr =	sadd.s32 s0, s3;
	s0 =	sld [smem:$0x3FA7]  }
0x30: {  	s3 =	sld [smem:$0x3FAA]  }
0x31: {  	[smem:$0x3FB3] =	sst s10  }
0x32: {  	s10 =	sld [smem:$0x3FB1];
	_ =	sdelay $0x3  }
0x33: {  	p0 =	seq.s32 s10, $0x1;
	s10 =	sld [smem:$0x3FB3];
	_ =	sdelay $0x3  }
0x34: {  	[smem:$0x3FB3] =	sst s10  }
0x35: {  	s10 =	sld [smem:$0x3FB2];
	_ =	sdelay $0x3  }
0x36: {  	p1 =	seq.s32 s10, $0x1;
	s10 =	sld [smem:$0x3FB3];
	_ =	sdelay $0x3  }
0x37: {  	[smem:$0x3FB3] =	sst s10  }
0x38: {  	s10 =	sld [smem:$0x3FB4]  }
0x39: {  	_ = 	snop;
	(pc) =	sbr.ind lr, $3  }
0x3a: {  	_ = 	snop  }
0x3b: {  	_ = 	snop  }
0x3c: {  	p2 =	seq.s32 s10, $0x1;
	s10 =	sld [smem:$0x3FB3]  }
0x3d: {  	_ =	shalt  }
0x3e: {  	_ =	shalt  }
0x3f: {  	_ =	shalt  }
0x40: {  	_ =	shalt  }
0x41: {  	_ =	shalt  }
0x42: {  	_ =	shalt  }
0x43: {  	_ =	shalt  }
0x44: {  	_ =	shalt  }
0x45: {  	_ =	shalt  }
0x46: {  	_ =	shalt  }
0x47: {  	_ =	shalt  }
0x48: {  	_ =	shalt  }
0x49: {  	_ =	shalt  }
0x4a: {  	_ =	shalt  }
0x4b: {  	_ =	shalt  }
0x4c: {  	_ =	shalt  }
0x4d: {  	_ =	shalt  }
0x4e: {  	_ =	shalt  }
0x4f: {  	_ =	shalt  }
0x50: {  	_ =	shalt  }
0x51: {  	_ =	shalt  }
0x52: {  	_ =	shalt  }
0x53: {  	_ =	shalt  }
0x54: {  	_ =	shalt  }
0x55: {  	_ =	shalt  }
0x56: {  	_ =	shalt  }
0x57: {  	_ =	shalt  }
0x58: {  	_ =	shalt  }
0x59: {  	_ =	shalt  }
0x5a: {  	_ =	shalt  }
0x5b: {  	_ =	shalt  }
0x5c: {  	_ =	shalt  }
0x5d: {  	_ =	shalt  }
0x5e: {  	_ =	shalt  }
0x5f: {  	_ =	shalt  }
0x60: {  	_ =	shalt  }
0x61: {  	_ =	shalt  }
0x62: {  	_ =	shalt  }
0x63: {  	_ =	shalt  }
0x64: {  	_ =	shalt  }
0x65: {  	_ =	shalt  }
0x66: {  	_ =	shalt  }
0x67: {  	_ =	shalt  }
0x68: {  	_ =	shalt  }
0x69: {  	_ =	shalt  }
0x6a: {  	_ =	shalt  }
0x6b: {  	_ =	shalt  }
0x6c: {  	_ =	shalt  }
0x6d: {  	_ =	shalt  }
0x6e: {  	_ =	shalt  }
0x6f: {  	_ =	shalt  }
0x70: {  	_ =	shalt  }
0x71: {  	_ =	shalt  }
0x72: {  	_ =	shalt  }
0x73: {  	_ =	shalt  }
0x74: {  	_ =	shalt  }
0x75: {  	_ =	shalt  }
0x76: {  	_ =	shalt  }
0x77: {  	_ =	shalt  }
0x78: {  	_ =	shalt  }
0x79: {  	_ =	shalt  }
0x7a: {  	_ =	shalt  }
0x7b: {  	_ =	shalt  }
0x7c: {  	_ =	shalt  }
0x7d: {  	_ =	shalt  }
0x7e: {  	_ =	shalt  }
0x7f: {  	_ =	shalt  }
0x80: {  	_ =	shalt  }
0x81: {  	_ =	shalt  }
0x82: {  	_ =	shalt  }
0x83: {  	_ =	shalt  }
0x84: {  	_ =	shalt  }
0x85: {  	_ =	shalt  }
0x86: {  	_ =	shalt  }
0x87: {  	_ =	shalt  }
.Lfunc_end0:
.L_simem_size_0:
called_computation_lowered:
.L_overlay_start_0:
0x88: {  	s2 =	sld [smem:$0x3FD9]  }
0x89: {  	s3 =	sld [smem:$0x3FFE];
	_ =	sdelay $0x1  }
0x8a: {  	s1 =	srdreg.scid  }
0x8b: {  	s0 =	sand.u32 $0x1, s1  }
0x8c: {  	s17 =	sshll.u32 s0, $0xA;
	s2 =	sadd.s32 s3, s2  }
0x8d: {  	s2 =	sadd.s32 s2, s17  }
0x8e: {  	[smem:$0x3FBF] =	sst s2  }
0x8f: {  	_ = 	snop  }
0x90: {  	s2 =	sld [smem:$0x3FD0];
	(tm) =	ssettm $0x1  }
0x91: {  	s18 =	sld [smem:$0x3FFB];
	_ =	sdelay $0x3  }
0x92: {  	_ =	strace s18  }
0x93: {  	s3 =	sld [smem:$0x3FFC];
	_ =	sdelay $0x3  }
0x94: {  	_ =	strace s3  }
0x95: {  	s3 =	sld [smem:$0x3FFD];
	_ =	sdelay $0x3  }
0x96: {  	_ =	strace s3  }
0x97: {  	_ =	strace $0x8FFFFFFF  }
0x98: {  	s19 =	sld [smem:$0x3FDB];
	_ =	sdelay $0x1  }
0x99: {  	s4 =	simm.s32 $_scs_section_size  }
0x9a: {  	s5 =	simm.s32 $_size__tile_overlayer_lowered;
	s6 =	simm.s32 $_tile_overlayer_lowered  }
0x9b: {  	s22 =	simm.s32 $0x1BFF;
	s21 =	sshll.u32 s6, $0x1;
	s3 =	sadd.s32 s4, s19  }
0x9c: {  	s7 =	simm.s32 $0x0;
	s20 =	sshll.u32 s5, $0x1;
	s5 =	sadd.s32 s21, s3  }
0x9d: {  	[timem:s7], [sflag:s22] =	dma.local [hbm:s5], s20  }
0x9e: {  	_ =	swait.ge [sflag:s22], s20  }
0x9f: {  	s4 =	ssub.s32 $0x0, s20;
	[sflag:s22] =	ssyncset.done $0x0  }
0xa0: {  	[sflag:s22] =	ssyncadd.s32 s4;
	_ =	sdelay $0x1  }
0xa1: {  	s23 =	simm.s32 $0x1B8B  }
0xa2: {  	_ =	swait.ge [sflag:s23], $0x1  }
0xa3: {  	[sflag:s23] =	ssyncset.done $0x0  }
0xa4: {  	s25 =	simm.s32 $0x1B8E;
	s24 =	sld [smem:$0x3FFE];
	[sflag:s23] =	ssyncadd.s32 $0xFFFFFFFF  }
0xa5: {  	s26 =	simm.s32 $execute0_lowered;
	[smem:$0x3FD2] =	sst s25  }
0xa6: {  	s5 =	sshll.u32 s26, $0x1;
	_ =	strace $0x80000046;
	[dreg:$0x1] =	wrdreg $0xFFFFFFFF  }
0xa7: {  	s28 =	simm.s32 $_size_execute0_lowered;
	s3 =	sadd.s32 s3, s5;
	[dreg:$0x0] =	wrdreg $0x0  }
0xa8: {  	s5 =	sshll.u32 s28, $0x1;
	[dreg:$0x2] =	wrdreg s3  }
0xa9: {  	[dreg:$0x3] =	wrdreg s5  }
0xaa: {  	[dreg:$0x4] =	wrdreg $0xC0  }
0xab: {  	_ =	task [dreg:s7], $0x5FFFF  }
0xac: {  	[dreg:$0x1] =	wrdreg $0xFFFFFFFF  }
0xad: {  	[dreg:$0x0] =	wrdreg $0x60  }
0xae: {  	[dreg:$0x2] =	wrdreg s24  }
0xaf: {  	[dreg:$0x3] =	wrdreg s2  }
0xb0: {  	[dreg:$0x4] =	wrdreg $0x9  }
0xb1: {  	_ =	task.clear_ibuf [dreg:s7], $0x5FFFF;
	_ =	strace $0x90000046  }
0xb2: {  	s29 =	simm.s32 $0x9;
	_ =	strace $0x80000048  }
0xb3: {  	_ =	swait.ge [sflag:s29], $0x1  }
0xb4: {  	[sflag:s29] =	ssyncadd.s32 $0xFFFFFFFF  }
0xb5: {  	_ =	strace $0x90000048  }
0xb6: {  	_ =	sfence  }
0xb7: {  	s30 =	sld [smem:$0x0];
	_ =	sdelay $0x2  }
0xb8: {  	s31 =	sshll.u32 s1, $0xD;
	s1 =	sshrl.u32 s1, $0x2  }
0xb9: {  	s3 =	sand.u32 $0x4000, s31;
	s1 =	sadd.s32 s1, s30  }
0xba: {  	s0 =	sor.u32 s3, s0;
	s1 =	sshll.u32 s1, $0x11  }
0xbb: {  	s0 =	sor.u32 s1, s0  }
0xbc: {  	s0 =	sadd.s32 $0x8F2B, s0  }
0xbd: {  	[sflag:s0] =	ssyncadd.remote.s32 $0x1  }
0xbe: {  	_ =	sfence.sel $0xFFFF  }
0xbf: {  	[dreg:$0x0] =	wrdreg $0xFFFFFFFF;
	(pc) =	sbr.abs _section_cstart, $3  }
0xc0: {  	[dreg:$0x1] =	wrdreg $0xFFFFFFFF  }
0xc1: {  	_ =	task.clear_ibuf [dreg:s7], $0x2FFFF;
	_ =	strace $0x9FFFFFFF  }
0xc2: {  	(tm) =	ssettm $0x7FFFFFFF  }
0xc3: {  	_ =	shalt  }
tec
execute0_lowered:
.L_overlay_start_1:
0x0: {  	(tag) =	ssettag $0x1  }
0x1: {  	s0 =	srdreg.scid;
	s1 =	rddreg [dreg:$0x0]  }
0x2: {  	s2 =	stileid.u32;
	s3 =	rddreg [dreg:$0x1]  }
0x3: {  	s31 =	simm.s32 $0x5;
	s11 =	simm.s32 $0x1;
	s0 =	sand.u32 $0x1, s0  }
0x4: {  	s30 =	simm.s32 $0x100;
	s2 =	sshll.u32 s2, $0xC;
	s4 =	sshll.u32 s0, $0xB  }
0x5: {  	s8 =	simm.s32 $0x2;
	s29 =	simm.s32 $0x180;
	s4 =	sor.u32 s4, s2  }
0x6: {  	s9 =	simm.s32 $0xC800;
	s7 =	simm.s32 $0x3;
	s5 =	sshrl.u32 s4, $0x3  }
0x7: {  	s2 =	simm.s32 $0x0;
	s4 =	sshll.u32 s4, $0x4;
	s5 =	sadd.s32 s5, s1  }
0x8: {  	[smem:$0x7FF] =	sst s2;
	s1 =	sadd.s32 s4, s1;
	s12 =	sadd.s32 $0x2000, s5  }
0x9: {  	_ =	strace $0x80000047;
	s13 =	sadd.s32 $0x4000, s1;
	[dreg:$0x3] =	wrdreg s12  }
0xa: {  	s28 =	simm.s32 $0x200;
	s14 =	sadd.s32 $0x4800, s1;
	[dreg:$0x4] =	wrdreg s13  }
0xb: {  	s6 =	simm.s32 $0x4;
	s15 =	sadd.s32 $0x5000, s1;
	[dreg:$0x5] =	wrdreg s14  }
0xc: {  	p0 =	por $0x0, $0x0;
	s16 =	sadd.s32 $0x5800, s1;
	[dreg:$0x6] =	wrdreg s15  }
0xd: {  	s0 =	ssub.s32 $0x2, s0;
	s17 =	sadd.s32 $0x6000, s1;
	[dreg:$0x7] =	wrdreg s16  }
0xe: {  	s24 =	sshrl.u32 s0, $0x1;
	s18 =	sadd.s32 $0x6800, s1;
	[dreg:$0x8] =	wrdreg s17  }
0xf: {  	s0 =	ssub.s32 s0, s24;
	s19 =	sadd.s32 $0x7000, s1;
	[dreg:$0x9] =	wrdreg s18  }
0x10: {  	s24 =	simm.s32 $0x380;
	s20 =	sadd.s32 $0x7800, s1;
	[dreg:$0xa] =	wrdreg s19  }
0x11: {  	s0 =	smax.u32 s0, $0x1;
	s21 =	sadd.s32 $0x8000, s1;
	[dreg:$0xb] =	wrdreg s20  }
0x12: {  	s22 =	sadd.s32 $0x8800, s1;
	s23 =	sadd.s32 $0x9000, s1;
	[dreg:$0xc] =	wrdreg s21  }
0x13: {  	s25 =	sadd.s32 $0x9800, s1;
	s26 =	sadd.s32 $0xA000, s1;
	[dreg:$0xd] =	wrdreg s22  }
0x14: {  	s10 =	sadd.s32 $0xA800, s1;
	s5 =	sadd.s32 $0xB000, s1;
	[dreg:$0xe] =	wrdreg s23  }
0x15: {  	s4 =	sadd.s32 $0xB800, s1;
	p1 =	sne.s32 s0, $0x1;
	[dreg:$0xf] =	wrdreg s25  }
0x16: {  	s1 =	sadd.s32 $0xFFFFFFFF, s0;
	[dreg:$0x10] =	wrdreg s26;
	s13 =	simm.s32 $0x80  }
.Ltmp0:
0x17: {  	s15 =	simm.s32 $0x800;
	s14 =	simm.s32 $0x4800;
	(pc) =	sbr.rel @!p1 .LBB2_3-.Ltmp0, $4  }
0x18: {  	s12 =	simm.s32 $0x8800;
	s26 =	simm.s32 $0x280;
	s25 =	simm.s32 $0x300  }
0x19: {  	s23 =	simm.s32 $0x400;
	s22 =	simm.s32 $0x480;
	s21 =	simm.s32 $0x500  }
0x1a: {  	s20 =	simm.s32 $0x580;
	s19 =	simm.s32 $0x600;
	s18 =	simm.s32 $0x680  }
0x1b: {  	s17 =	simm.s32 $0x700;
	s16 =	simm.s32 $0x780;
	s0 =	rddreg [dreg:$0x3]  }
0x1c: {  	[tilespmem:s2], [sflag:$0x5] =	stream.linear.gather [hbm4b:s0+s2], $0x800, $0x38;
	[tilespmem:$0x10800] =	vst v63  }
0x1d: {  	_ =	swait.ge [sflag:s31], $0x800  }
0x1e: {  	[sflag:s31] =	ssyncset.done $0x0  }
0x1f: {  	[sflag:s31] =	ssyncadd.s32 $0xFFFFF800  }
0x20: {  	[tilespmem:s15], [sflag:$0x1] =	stream.indirect.gather [hbm4b:s3+s13], $0x80, s2, s13, $0xb8;
	[tilespmem:$0x10800] =	vst v63  }
0x21: {  	_ = 	snop  }
0x22: {  	[tilespmem:s14], [sflag:$0x2] =	stream.indirect.gather [hbm4b:s3+s13], $0x80, s13, s13, $0xb8;
	[tilespmem:$0x10800] =	vst v63  }
0x23: {  	_ =	swait.ge [sflag:s11], $0x4000  }
0x24: {  	[sflag:s11] =	ssyncset.done $0x0  }
0x25: {  	s0 =	rddreg [dreg:$0x4];
	[sflag:s11] =	ssyncadd.s32 $0xFFFFC000  }
0x26: {  	[hbm4b:s0+s2] =	stream.linear.scatter [tilespmem:s15], [sflag:$0x3], $0x4000, $0x38;
	[tilespmem:$0x10800] =	vst v63  }
0x27: {  	_ = 	snop  }
0x28: {  	[tilespmem:s12], [sflag:$0x1] =	stream.indirect.gather [hbm4b:s3+s13], $0x80, s30, s13, $0xb8;
	[tilespmem:$0x10800] =	vst v63  }
0x29: {  	_ =	swait.ge [sflag:s8], $0x4000  }
0x2a: {  	[sflag:s8] =	ssyncset.done $0x0  }
0x2b: {  	s0 =	rddreg [dreg:$0x5];
	[sflag:s8] =	ssyncadd.s32 $0xFFFFC000  }
0x2c: {  	[hbm4b:s0+s2] =	stream.linear.scatter [tilespmem:s14], [sflag:$0x4], $0x4000, $0x38;
	[tilespmem:$0x10800] =	vst v63  }
0x2d: {  	_ = 	snop  }
0x2e: {  	[tilespmem:s9], [sflag:$0x2] =	stream.indirect.gather [hbm4b:s3+s13], $0x80, s29, s13, $0xb8;
	[tilespmem:$0x10800] =	vst v63  }
0x2f: {  	_ =	swait.ge [sflag:s7], $0x4000  }
0x30: {  	[sflag:s7] =	ssyncset.done $0x0  }
0x31: {  	[sflag:s7] =	ssyncadd.s32 $0xFFFFC000  }
0x32: {  	_ =	swait.ge [sflag:s11], $0x4000  }
0x33: {  	[sflag:s11] =	ssyncset.done $0x0  }
0x34: {  	s0 =	rddreg [dreg:$0x6];
	[sflag:s11] =	ssyncadd.s32 $0xFFFFC000  }
0x35: {  	[hbm4b:s0+s2] =	stream.linear.scatter [tilespmem:s12], [sflag:$0x3], $0x4000, $0x38;
	[tilespmem:$0x10800] =	vst v63  }
0x36: {  	_ = 	snop  }
0x37: {  	[tilespmem:s15], [sflag:$0x1] =	stream.indirect.gather [hbm4b:s3+s13], $0x80, s28, s13, $0xb8;
	[tilespmem:$0x10800] =	vst v63  }
0x38: {  	_ =	swait.ge [sflag:s6], $0x4000  }
0x39: {  	[sflag:s6] =	ssyncset.done $0x0  }
0x3a: {  	[sflag:s6] =	ssyncadd.s32 $0xFFFFC000  }
0x3b: {  	_ =	swait.ge [sflag:s8], $0x4000  }
0x3c: {  	[sflag:s8] =	ssyncset.done $0x0  }
0x3d: {  	s0 =	rddreg [dreg:$0x7];
	[sflag:s8] =	ssyncadd.s32 $0xFFFFC000  }
0x3e: {  	[hbm4b:s0+s2] =	stream.linear.scatter [tilespmem:s9], [sflag:$0x4], $0x4000, $0x38;
	[tilespmem:$0x10800] =	vst v63  }
0x3f: {  	_ = 	snop  }
0x40: {  	[tilespmem:s14], [sflag:$0x2] =	stream.indirect.gather [hbm4b:s3+s13], $0x80, s26, s13, $0xb8;
	[tilespmem:$0x10800] =	vst v63  }
0x41: {  	_ =	swait.ge [sflag:s7], $0x4000  }
0x42: {  	[sflag:s7] =	ssyncset.done $0x0  }
0x43: {  	[sflag:s7] =	ssyncadd.s32 $0xFFFFC000  }
0x44: {  	_ =	swait.ge [sflag:s11], $0x4000  }
0x45: {  	[sflag:s11] =	ssyncset.done $0x0  }
0x46: {  	s0 =	rddreg [dreg:$0x8];
	[sflag:s11] =	ssyncadd.s32 $0xFFFFC000  }
0x47: {  	[hbm4b:s0+s2] =	stream.linear.scatter [tilespmem:s15], [sflag:$0x3], $0x4000, $0x38;
	[tilespmem:$0x10800] =	vst v63  }
0x48: {  	_ = 	snop  }
0x49: {  	[tilespmem:s12], [sflag:$0x1] =	stream.indirect.gather [hbm4b:s3+s13], $0x80, s25, s13, $0xb8;
	[tilespmem:$0x10800] =	vst v63  }
0x4a: {  	_ =	swait.ge [sflag:s6], $0x4000  }
0x4b: {  	[sflag:s6] =	ssyncset.done $0x0  }
0x4c: {  	[sflag:s6] =	ssyncadd.s32 $0xFFFFC000  }
0x4d: {  	_ =	swait.ge [sflag:s8], $0x4000  }
0x4e: {  	[sflag:s8] =	ssyncset.done $0x0  }
0x4f: {  	s0 =	rddreg [dreg:$0x9];
	[sflag:s8] =	ssyncadd.s32 $0xFFFFC000  }
0x50: {  	[hbm4b:s0+s2] =	stream.linear.scatter [tilespmem:s14], [sflag:$0x4], $0x4000, $0x38;
	[tilespmem:$0x10800] =	vst v63  }
0x51: {  	_ = 	snop  }
0x52: {  	[tilespmem:s9], [sflag:$0x2] =	stream.indirect.gather [hbm4b:s3+s13], $0x80, s24, s13, $0xb8;
	[tilespmem:$0x10800] =	vst v63  }
0x53: {  	_ =	swait.ge [sflag:s7], $0x4000  }
0x54: {  	[sflag:s7] =	ssyncset.done $0x0  }
0x55: {  	[sflag:s7] =	ssyncadd.s32 $0xFFFFC000  }
0x56: {  	_ =	swait.ge [sflag:s11], $0x4000  }
0x57: {  	[sflag:s11] =	ssyncset.done $0x0  }
0x58: {  	s0 =	rddreg [dreg:$0xa];
	[sflag:s11] =	ssyncadd.s32 $0xFFFFC000  }
0x59: {  	[hbm4b:s0+s2] =	stream.linear.scatter [tilespmem:s12], [sflag:$0x3], $0x4000, $0x38;
	[tilespmem:$0x10800] =	vst v63  }
0x5a: {  	_ = 	snop  }
0x5b: {  	[tilespmem:s15], [sflag:$0x1] =	stream.indirect.gather [hbm4b:s3+s13], $0x80, s23, s13, $0xb8;
	[tilespmem:$0x10800] =	vst v63  }
0x5c: {  	_ =	swait.ge [sflag:s6], $0x4000  }
0x5d: {  	[sflag:s6] =	ssyncset.done $0x0  }
0x5e: {  	[sflag:s6] =	ssyncadd.s32 $0xFFFFC000  }
0x5f: {  	_ =	swait.ge [sflag:s8], $0x4000  }
0x60: {  	[sflag:s8] =	ssyncset.done $0x0  }
0x61: {  	s0 =	rddreg [dreg:$0xb];
	[sflag:s8] =	ssyncadd.s32 $0xFFFFC000  }
0x62: {  	[hbm4b:s0+s2] =	stream.linear.scatter [tilespmem:s9], [sflag:$0x4], $0x4000, $0x38;
	[tilespmem:$0x10800] =	vst v63  }
0x63: {  	_ = 	snop  }
0x64: {  	[tilespmem:s14], [sflag:$0x2] =	stream.indirect.gather [hbm4b:s3+s13], $0x80, s22, s13, $0xb8;
	[tilespmem:$0x10800] =	vst v63  }
0x65: {  	_ =	swait.ge [sflag:s7], $0x4000  }
0x66: {  	[sflag:s7] =	ssyncset.done $0x0  }
0x67: {  	[sflag:s7] =	ssyncadd.s32 $0xFFFFC000  }
0x68: {  	_ =	swait.ge [sflag:s11], $0x4000  }
0x69: {  	[sflag:s11] =	ssyncset.done $0x0  }
0x6a: {  	s0 =	rddreg [dreg:$0xc];
	[sflag:s11] =	ssyncadd.s32 $0xFFFFC000  }
0x6b: {  	[hbm4b:s0+s2] =	stream.linear.scatter [tilespmem:s15], [sflag:$0x3], $0x4000, $0x38;
	[tilespmem:$0x10800] =	vst v63  }
0x6c: {  	_ = 	snop  }
0x6d: {  	[tilespmem:s12], [sflag:$0x1] =	stream.indirect.gather [hbm4b:s3+s13], $0x80, s21, s13, $0xb8;
	[tilespmem:$0x10800] =	vst v63  }
0x6e: {  	_ =	swait.ge [sflag:s6], $0x4000  }
0x6f: {  	[sflag:s6] =	ssyncset.done $0x0  }
0x70: {  	[sflag:s6] =	ssyncadd.s32 $0xFFFFC000  }
0x71: {  	_ =	swait.ge [sflag:s8], $0x4000  }
0x72: {  	[sflag:s8] =	ssyncset.done $0x0  }
0x73: {  	s0 =	rddreg [dreg:$0xd];
	[sflag:s8] =	ssyncadd.s32 $0xFFFFC000  }
0x74: {  	[hbm4b:s0+s2] =	stream.linear.scatter [tilespmem:s14], [sflag:$0x4], $0x4000, $0x38;
	[tilespmem:$0x10800] =	vst v63  }
0x75: {  	_ = 	snop  }
0x76: {  	[tilespmem:s9], [sflag:$0x2] =	stream.indirect.gather [hbm4b:s3+s13], $0x80, s20, s13, $0xb8;
	[tilespmem:$0x10800] =	vst v63  }
0x77: {  	_ =	swait.ge [sflag:s7], $0x4000  }
0x78: {  	[sflag:s7] =	ssyncset.done $0x0  }
0x79: {  	[sflag:s7] =	ssyncadd.s32 $0xFFFFC000  }
0x7a: {  	_ =	swait.ge [sflag:s11], $0x4000  }
0x7b: {  	[sflag:s11] =	ssyncset.done $0x0  }
0x7c: {  	s0 =	rddreg [dreg:$0xe];
	[sflag:s11] =	ssyncadd.s32 $0xFFFFC000  }
0x7d: {  	[hbm4b:s0+s2] =	stream.linear.scatter [tilespmem:s12], [sflag:$0x3], $0x4000, $0x38;
	[tilespmem:$0x10800] =	vst v63  }
0x7e: {  	_ = 	snop  }
0x7f: {  	[tilespmem:s15], [sflag:$0x1] =	stream.indirect.gather [hbm4b:s3+s13], $0x80, s19, s13, $0xb8;
	[tilespmem:$0x10800] =	vst v63  }
0x80: {  	_ =	swait.ge [sflag:s6], $0x4000  }
0x81: {  	[sflag:s6] =	ssyncset.done $0x0  }
0x82: {  	[sflag:s6] =	ssyncadd.s32 $0xFFFFC000  }
0x83: {  	_ =	swait.ge [sflag:s8], $0x4000  }
0x84: {  	[sflag:s8] =	ssyncset.done $0x0  }
0x85: {  	s0 =	rddreg [dreg:$0xf];
	[sflag:s8] =	ssyncadd.s32 $0xFFFFC000  }
0x86: {  	[hbm4b:s0+s2] =	stream.linear.scatter [tilespmem:s9], [sflag:$0x4], $0x4000, $0x38;
	[tilespmem:$0x10800] =	vst v63  }
0x87: {  	_ = 	snop  }
0x88: {  	[tilespmem:s14], [sflag:$0x2] =	stream.indirect.gather [hbm4b:s3+s13], $0x80, s18, s13, $0xb8;
	[tilespmem:$0x10800] =	vst v63  }
0x89: {  	_ =	swait.ge [sflag:s7], $0x4000  }
0x8a: {  	[sflag:s7] =	ssyncset.done $0x0  }
0x8b: {  	[sflag:s7] =	ssyncadd.s32 $0xFFFFC000  }
0x8c: {  	_ =	swait.ge [sflag:s11], $0x4000  }
0x8d: {  	[sflag:s11] =	ssyncset.done $0x0  }
0x8e: {  	s0 =	rddreg [dreg:$0x10];
	[sflag:s11] =	ssyncadd.s32 $0xFFFFC000  }
0x8f: {  	[hbm4b:s0+s2] =	stream.linear.scatter [tilespmem:s15], [sflag:$0x3], $0x4000, $0x38;
	[tilespmem:$0x10800] =	vst v63  }
0x90: {  	_ = 	snop  }
0x91: {  	[tilespmem:s12], [sflag:$0x1] =	stream.indirect.gather [hbm4b:s3+s13], $0x80, s17, s13, $0xb8;
	[tilespmem:$0x10800] =	vst v63  }
0x92: {  	_ =	swait.ge [sflag:s6], $0x4000  }
0x93: {  	[sflag:s6] =	ssyncset.done $0x0  }
0x94: {  	[sflag:s6] =	ssyncadd.s32 $0xFFFFC000  }
0x95: {  	_ =	swait.ge [sflag:s8], $0x4000  }
0x96: {  	[sflag:s8] =	ssyncset.done $0x0  }
0x97: {  	[sflag:s8] =	ssyncadd.s32 $0xFFFFC000  }
0x98: {  	[hbm4b:s10+s2] =	stream.linear.scatter [tilespmem:s14], [sflag:$0x4], $0x4000, $0x38;
	[tilespmem:$0x10800] =	vst v63  }
0x99: {  	_ = 	snop  }
0x9a: {  	[tilespmem:s9], [sflag:$0x2] =	stream.indirect.gather [hbm4b:s3+s13], $0x80, s16, s13, $0xb8;
	[tilespmem:$0x10800] =	vst v63  }
0x9b: {  	_ =	swait.ge [sflag:s7], $0x4000  }
0x9c: {  	[sflag:s7] =	ssyncset.done $0x0  }
0x9d: {  	[sflag:s7] =	ssyncadd.s32 $0xFFFFC000  }
0x9e: {  	_ =	swait.ge [sflag:s11], $0x4000  }
0x9f: {  	[sflag:s11] =	ssyncset.done $0x0  }
0xa0: {  	[sflag:s11] =	ssyncadd.s32 $0xFFFFC000  }
0xa1: {  	[hbm4b:s5+s2] =	stream.linear.scatter [tilespmem:s12], [sflag:$0x3], $0x4000, $0x38;
	[tilespmem:$0x10800] =	vst v63  }
0xa2: {  	_ =	swait.ge [sflag:s6], $0x4000  }
0xa3: {  	[sflag:s6] =	ssyncset.done $0x0  }
0xa4: {  	[sflag:s6] =	ssyncadd.s32 $0xFFFFC000  }
0xa5: {  	_ =	swait.ge [sflag:s8], $0x4000  }
0xa6: {  	[sflag:s8] =	ssyncset.done $0x0  }
0xa7: {  	p1 =	sne.s32 s1, $0x1;
	[sflag:s8] =	ssyncadd.s32 $0xFFFFC000  }
0xa8: {  	[hbm4b:s4+s2] =	stream.linear.scatter [tilespmem:s9], [sflag:$0x4], $0x4000, $0x38;
	[tilespmem:$0x10800] =	vst v63  }
.Ltmp1:
0xa9: {  	_ =	swait.ge [sflag:s7], $0x4000;
	(pc) =	sbr.rel @!p1 .LBB2_3-.Ltmp1, $4  }
0xaa: {  	[sflag:s7] =	ssyncset.done $0x0  }
0xab: {  	[sflag:s7] =	ssyncadd.s32 $0xFFFFC000  }
0xac: {  	s1 =	sadd.s32 $0xFFFFFFFF, s1;
	_ =	swait.ge [sflag:s6], $0x4000  }
0xad: {  	p0 =	por $0x1, $0x1;
	s0 =	rddreg [dreg:$0x3];
	[sflag:s6] =	ssyncset.done $0x0  }
.LBB2_2:
0xae: {  	[sflag:s6] =	ssyncadd.s32 $0xFFFFC000  }
0xaf: {  	[tilespmem:s2], [sflag:$0x5] =	stream.linear.gather [hbm4b:s0+s2], $0x800, $0x38;
	[tilespmem:$0x10800] =	vst v63  }
0xb0: {  	_ =	swait.ge [sflag:s31], $0x800  }
0xb1: {  	[sflag:s31] =	ssyncset.done $0x0  }
0xb2: {  	[sflag:s31] =	ssyncadd.s32 $0xFFFFF800  }
0xb3: {  	[tilespmem:s15], [sflag:$0x1] =	stream.indirect.gather [hbm4b:s3+s13], $0x80, s2, s13, $0xb8;
	[tilespmem:$0x10800] =	vst v63  }
0xb4: {  	_ = 	snop  }
0xb5: {  	[tilespmem:s14], [sflag:$0x2] =	stream.indirect.gather [hbm4b:s3+s13], $0x80, s13, s13, $0xb8;
	[tilespmem:$0x10800] =	vst v63  }
0xb6: {  	_ =	swait.ge [sflag:s11], $0x4000  }
0xb7: {  	[sflag:s11] =	ssyncset.done $0x0  }
0xb8: {  	s0 =	rddreg [dreg:$0x4];
	[sflag:s11] =	ssyncadd.s32 $0xFFFFC000  }
0xb9: {  	[hbm4b:s0+s2] =	stream.linear.scatter [tilespmem:s15], [sflag:$0x3], $0x4000, $0x38;
	[tilespmem:$0x10800] =	vst v63  }
0xba: {  	_ = 	snop  }
0xbb: {  	[tilespmem:s12], [sflag:$0x1] =	stream.indirect.gather [hbm4b:s3+s13], $0x80, s30, s13, $0xb8;
	[tilespmem:$0x10800] =	vst v63  }
0xbc: {  	_ =	swait.ge [sflag:s8], $0x4000  }
0xbd: {  	[sflag:s8] =	ssyncset.done $0x0  }
0xbe: {  	s0 =	rddreg [dreg:$0x5];
	[sflag:s8] =	ssyncadd.s32 $0xFFFFC000  }
0xbf: {  	[hbm4b:s0+s2] =	stream.linear.scatter [tilespmem:s14], [sflag:$0x4], $0x4000, $0x38;
	[tilespmem:$0x10800] =	vst v63  }
0xc0: {  	_ = 	snop  }
0xc1: {  	[tilespmem:s9], [sflag:$0x2] =	stream.indirect.gather [hbm4b:s3+s13], $0x80, s29, s13, $0xb8;
	[tilespmem:$0x10800] =	vst v63  }
0xc2: {  	_ =	swait.ge [sflag:s7], $0x4000  }
0xc3: {  	[sflag:s7] =	ssyncset.done $0x0  }
0xc4: {  	[sflag:s7] =	ssyncadd.s32 $0xFFFFC000  }
0xc5: {  	_ =	swait.ge [sflag:s11], $0x4000  }
0xc6: {  	[sflag:s11] =	ssyncset.done $0x0  }
0xc7: {  	s0 =	rddreg [dreg:$0x6];
	[sflag:s11] =	ssyncadd.s32 $0xFFFFC000  }
0xc8: {  	[hbm4b:s0+s2] =	stream.linear.scatter [tilespmem:s12], [sflag:$0x3], $0x4000, $0x38;
	[tilespmem:$0x10800] =	vst v63  }
0xc9: {  	_ = 	snop  }
0xca: {  	[tilespmem:s15], [sflag:$0x1] =	stream.indirect.gather [hbm4b:s3+s13], $0x80, s28, s13, $0xb8;
	[tilespmem:$0x10800] =	vst v63  }
0xcb: {  	_ =	swait.ge [sflag:s6], $0x4000  }
0xcc: {  	[sflag:s6] =	ssyncset.done $0x0  }
0xcd: {  	[sflag:s6] =	ssyncadd.s32 $0xFFFFC000  }
0xce: {  	_ =	swait.ge [sflag:s8], $0x4000  }
0xcf: {  	[sflag:s8] =	ssyncset.done $0x0  }
0xd0: {  	s0 =	rddreg [dreg:$0x7];
	[sflag:s8] =	ssyncadd.s32 $0xFFFFC000  }
0xd1: {  	[hbm4b:s0+s2] =	stream.linear.scatter [tilespmem:s9], [sflag:$0x4], $0x4000, $0x38;
	[tilespmem:$0x10800] =	vst v63  }
0xd2: {  	_ = 	snop  }
0xd3: {  	[tilespmem:s14], [sflag:$0x2] =	stream.indirect.gather [hbm4b:s3+s13], $0x80, s26, s13, $0xb8;
	[tilespmem:$0x10800] =	vst v63  }
0xd4: {  	_ =	swait.ge [sflag:s7], $0x4000  }
0xd5: {  	[sflag:s7] =	ssyncset.done $0x0  }
0xd6: {  	[sflag:s7] =	ssyncadd.s32 $0xFFFFC000  }
0xd7: {  	_ =	swait.ge [sflag:s11], $0x4000  }
0xd8: {  	[sflag:s11] =	ssyncset.done $0x0  }
0xd9: {  	s0 =	rddreg [dreg:$0x8];
	[sflag:s11] =	ssyncadd.s32 $0xFFFFC000  }
0xda: {  	[hbm4b:s0+s2] =	stream.linear.scatter [tilespmem:s15], [sflag:$0x3], $0x4000, $0x38;
	[tilespmem:$0x10800] =	vst v63  }
0xdb: {  	_ = 	snop  }
0xdc: {  	[tilespmem:s12], [sflag:$0x1] =	stream.indirect.gather [hbm4b:s3+s13], $0x80, s25, s13, $0xb8;
	[tilespmem:$0x10800] =	vst v63  }
0xdd: {  	_ =	swait.ge [sflag:s6], $0x4000  }
0xde: {  	[sflag:s6] =	ssyncset.done $0x0  }
0xdf: {  	[sflag:s6] =	ssyncadd.s32 $0xFFFFC000  }
0xe0: {  	_ =	swait.ge [sflag:s8], $0x4000  }
0xe1: {  	[sflag:s8] =	ssyncset.done $0x0  }
0xe2: {  	s0 =	rddreg [dreg:$0x9];
	[sflag:s8] =	ssyncadd.s32 $0xFFFFC000  }
0xe3: {  	[hbm4b:s0+s2] =	stream.linear.scatter [tilespmem:s14], [sflag:$0x4], $0x4000, $0x38;
	[tilespmem:$0x10800] =	vst v63  }
0xe4: {  	_ = 	snop  }
0xe5: {  	[tilespmem:s9], [sflag:$0x2] =	stream.indirect.gather [hbm4b:s3+s13], $0x80, s24, s13, $0xb8;
	[tilespmem:$0x10800] =	vst v63  }
0xe6: {  	_ =	swait.ge [sflag:s7], $0x4000  }
0xe7: {  	[sflag:s7] =	ssyncset.done $0x0  }
0xe8: {  	[sflag:s7] =	ssyncadd.s32 $0xFFFFC000  }
0xe9: {  	_ =	swait.ge [sflag:s11], $0x4000  }
0xea: {  	[sflag:s11] =	ssyncset.done $0x0  }
0xeb: {  	s0 =	rddreg [dreg:$0xa];
	[sflag:s11] =	ssyncadd.s32 $0xFFFFC000  }
0xec: {  	[hbm4b:s0+s2] =	stream.linear.scatter [tilespmem:s12], [sflag:$0x3], $0x4000, $0x38;
	[tilespmem:$0x10800] =	vst v63  }
0xed: {  	_ = 	snop  }
0xee: {  	[tilespmem:s15], [sflag:$0x1] =	stream.indirect.gather [hbm4b:s3+s13], $0x80, s23, s13, $0xb8;
	[tilespmem:$0x10800] =	vst v63  }
0xef: {  	_ =	swait.ge [sflag:s6], $0x4000  }
0xf0: {  	[sflag:s6] =	ssyncset.done $0x0  }
0xf1: {  	[sflag:s6] =	ssyncadd.s32 $0xFFFFC000  }
0xf2: {  	_ =	swait.ge [sflag:s8], $0x4000  }
0xf3: {  	[sflag:s8] =	ssyncset.done $0x0  }
0xf4: {  	s0 =	rddreg [dreg:$0xb];
	[sflag:s8] =	ssyncadd.s32 $0xFFFFC000  }
0xf5: {  	[hbm4b:s0+s2] =	stream.linear.scatter [tilespmem:s9], [sflag:$0x4], $0x4000, $0x38;
	[tilespmem:$0x10800] =	vst v63  }
0xf6: {  	_ = 	snop  }
0xf7: {  	[tilespmem:s14], [sflag:$0x2] =	stream.indirect.gather [hbm4b:s3+s13], $0x80, s22, s13, $0xb8;
	[tilespmem:$0x10800] =	vst v63  }
0xf8: {  	_ =	swait.ge [sflag:s7], $0x4000  }
0xf9: {  	[sflag:s7] =	ssyncset.done $0x0  }
0xfa: {  	[sflag:s7] =	ssyncadd.s32 $0xFFFFC000  }
0xfb: {  	_ =	swait.ge [sflag:s11], $0x4000  }
0xfc: {  	[sflag:s11] =	ssyncset.done $0x0  }
0xfd: {  	s0 =	rddreg [dreg:$0xc];
	[sflag:s11] =	ssyncadd.s32 $0xFFFFC000  }
0xfe: {  	[hbm4b:s0+s2] =	stream.linear.scatter [tilespmem:s15], [sflag:$0x3], $0x4000, $0x38;
	[tilespmem:$0x10800] =	vst v63  }
0xff: {  	_ = 	snop  }
0x100: {  	[tilespmem:s12], [sflag:$0x1] =	stream.indirect.gather [hbm4b:s3+s13], $0x80, s21, s13, $0xb8;
	[tilespmem:$0x10800] =	vst v63  }
0x101: {  	_ =	swait.ge [sflag:s6], $0x4000  }
0x102: {  	[sflag:s6] =	ssyncset.done $0x0  }
0x103: {  	[sflag:s6] =	ssyncadd.s32 $0xFFFFC000  }
0x104: {  	_ =	swait.ge [sflag:s8], $0x4000  }
0x105: {  	[sflag:s8] =	ssyncset.done $0x0  }
0x106: {  	s0 =	rddreg [dreg:$0xd];
	[sflag:s8] =	ssyncadd.s32 $0xFFFFC000  }
0x107: {  	[hbm4b:s0+s2] =	stream.linear.scatter [tilespmem:s14], [sflag:$0x4], $0x4000, $0x38;
	[tilespmem:$0x10800] =	vst v63  }
0x108: {  	_ = 	snop  }
0x109: {  	[tilespmem:s9], [sflag:$0x2] =	stream.indirect.gather [hbm4b:s3+s13], $0x80, s20, s13, $0xb8;
	[tilespmem:$0x10800] =	vst v63  }
0x10a: {  	_ =	swait.ge [sflag:s7], $0x4000  }
0x10b: {  	[sflag:s7] =	ssyncset.done $0x0  }
0x10c: {  	[sflag:s7] =	ssyncadd.s32 $0xFFFFC000  }
0x10d: {  	_ =	swait.ge [sflag:s11], $0x4000  }
0x10e: {  	[sflag:s11] =	ssyncset.done $0x0  }
0x10f: {  	s0 =	rddreg [dreg:$0xe];
	[sflag:s11] =	ssyncadd.s32 $0xFFFFC000  }
0x110: {  	[hbm4b:s0+s2] =	stream.linear.scatter [tilespmem:s12], [sflag:$0x3], $0x4000, $0x38;
	[tilespmem:$0x10800] =	vst v63  }
0x111: {  	_ = 	snop  }
0x112: {  	[tilespmem:s15], [sflag:$0x1] =	stream.indirect.gather [hbm4b:s3+s13], $0x80, s19, s13, $0xb8;
	[tilespmem:$0x10800] =	vst v63  }
0x113: {  	_ =	swait.ge [sflag:s6], $0x4000  }
0x114: {  	[sflag:s6] =	ssyncset.done $0x0  }
0x115: {  	[sflag:s6] =	ssyncadd.s32 $0xFFFFC000  }
0x116: {  	_ =	swait.ge [sflag:s8], $0x4000  }
0x117: {  	[sflag:s8] =	ssyncset.done $0x0  }
0x118: {  	s0 =	rddreg [dreg:$0xf];
	[sflag:s8] =	ssyncadd.s32 $0xFFFFC000  }
0x119: {  	[hbm4b:s0+s2] =	stream.linear.scatter [tilespmem:s9], [sflag:$0x4], $0x4000, $0x38;
	[tilespmem:$0x10800] =	vst v63  }
0x11a: {  	_ = 	snop  }
0x11b: {  	[tilespmem:s14], [sflag:$0x2] =	stream.indirect.gather [hbm4b:s3+s13], $0x80, s18, s13, $0xb8;
	[tilespmem:$0x10800] =	vst v63  }
0x11c: {  	_ =	swait.ge [sflag:s7], $0x4000  }
0x11d: {  	[sflag:s7] =	ssyncset.done $0x0  }
0x11e: {  	[sflag:s7] =	ssyncadd.s32 $0xFFFFC000  }
0x11f: {  	_ =	swait.ge [sflag:s11], $0x4000  }
0x120: {  	[sflag:s11] =	ssyncset.done $0x0  }
0x121: {  	s0 =	rddreg [dreg:$0x10];
	[sflag:s11] =	ssyncadd.s32 $0xFFFFC000  }
0x122: {  	[hbm4b:s0+s2] =	stream.linear.scatter [tilespmem:s15], [sflag:$0x3], $0x4000, $0x38;
	[tilespmem:$0x10800] =	vst v63  }
0x123: {  	_ = 	snop  }
0x124: {  	[tilespmem:s12], [sflag:$0x1] =	stream.indirect.gather [hbm4b:s3+s13], $0x80, s17, s13, $0xb8;
	[tilespmem:$0x10800] =	vst v63  }
0x125: {  	_ =	swait.ge [sflag:s6], $0x4000  }
0x126: {  	[sflag:s6] =	ssyncset.done $0x0  }
0x127: {  	[sflag:s6] =	ssyncadd.s32 $0xFFFFC000  }
0x128: {  	_ =	swait.ge [sflag:s8], $0x4000  }
0x129: {  	[sflag:s8] =	ssyncset.done $0x0  }
0x12a: {  	[sflag:s8] =	ssyncadd.s32 $0xFFFFC000  }
0x12b: {  	[hbm4b:s10+s2] =	stream.linear.scatter [tilespmem:s14], [sflag:$0x4], $0x4000, $0x38;
	[tilespmem:$0x10800] =	vst v63  }
0x12c: {  	_ = 	snop  }
0x12d: {  	[tilespmem:s9], [sflag:$0x2] =	stream.indirect.gather [hbm4b:s3+s13], $0x80, s16, s13, $0xb8;
	[tilespmem:$0x10800] =	vst v63  }
0x12e: {  	_ =	swait.ge [sflag:s7], $0x4000  }
0x12f: {  	[sflag:s7] =	ssyncset.done $0x0  }
0x130: {  	[sflag:s7] =	ssyncadd.s32 $0xFFFFC000  }
0x131: {  	_ =	swait.ge [sflag:s11], $0x4000  }
0x132: {  	[sflag:s11] =	ssyncset.done $0x0  }
0x133: {  	[sflag:s11] =	ssyncadd.s32 $0xFFFFC000  }
0x134: {  	[hbm4b:s5+s2] =	stream.linear.scatter [tilespmem:s12], [sflag:$0x3], $0x4000, $0x38;
	[tilespmem:$0x10800] =	vst v63  }
0x135: {  	_ =	swait.ge [sflag:s6], $0x4000  }
0x136: {  	[sflag:s6] =	ssyncset.done $0x0  }
0x137: {  	[sflag:s6] =	ssyncadd.s32 $0xFFFFC000  }
0x138: {  	_ =	swait.ge [sflag:s8], $0x4000  }
0x139: {  	[sflag:s8] =	ssyncset.done $0x0  }
0x13a: {  	p1 =	sne.s32 s1, $0x1;
	[sflag:s8] =	ssyncadd.s32 $0xFFFFC000  }
0x13b: {  	[hbm4b:s4+s2] =	stream.linear.scatter [tilespmem:s9], [sflag:$0x4], $0x4000, $0x38;
	[tilespmem:$0x10800] =	vst v63  }
.Ltmp2:
0x13c: {  	_ =	swait.ge [sflag:s7], $0x4000;
	(pc) =	sbr.rel @p1 .LBB2_2-.Ltmp2, $4  }
0x13d: {  	[sflag:s7] =	ssyncset.done $0x0  }
0x13e: {  	[sflag:s7] =	ssyncadd.s32 $0xFFFFC000  }
0x13f: {  	_ =	swait.ge [sflag:s6], $0x4000  }
0x140: {  	s1 =	sadd.s32 $0xFFFFFFFF, s1;
	s0 =	rddreg [dreg:$0x3];
	[sflag:s6] =	ssyncset.done $0x0  }
.LBB2_3:
0x141: {  	[sflag:s6] =	ssyncadd.s32 @p0 $0xFFFFC000  }
0x142: {  	[tilespmem:s2], [sflag:$0x5] =	stream.linear.gather [hbm4b:s0+s2], $0x800, $0x38;
	[tilespmem:$0x10800] =	vst v63  }
0x143: {  	_ =	swait.ge [sflag:s31], $0x800  }
0x144: {  	[sflag:s31] =	ssyncset.done $0x0  }
0x145: {  	[sflag:s31] =	ssyncadd.s32 $0xFFFFF800  }
0x146: {  	[tilespmem:s15], [sflag:$0x1] =	stream.indirect.gather [hbm4b:s3+s13], $0x80, s2, s13, $0xb8;
	[tilespmem:$0x10800] =	vst v63  }
0x147: {  	_ = 	snop  }
0x148: {  	[tilespmem:s14], [sflag:$0x2] =	stream.indirect.gather [hbm4b:s3+s13], $0x80, s13, s13, $0xb8;
	[tilespmem:$0x10800] =	vst v63  }
0x149: {  	_ =	swait.ge [sflag:s11], $0x4000  }
0x14a: {  	[sflag:s11] =	ssyncset.done $0x0  }
0x14b: {  	s1 =	rddreg [dreg:$0x4];
	[sflag:s11] =	ssyncadd.s32 $0xFFFFC000  }
0x14c: {  	[hbm4b:s1+s2] =	stream.linear.scatter [tilespmem:s15], [sflag:$0x3], $0x4000, $0x38;
	[tilespmem:$0x10800] =	vst v63  }
0x14d: {  	_ = 	snop  }
0x14e: {  	[tilespmem:s12], [sflag:$0x1] =	stream.indirect.gather [hbm4b:s3+s13], $0x80, s30, s13, $0xb8;
	[tilespmem:$0x10800] =	vst v63  }
0x14f: {  	_ =	swait.ge [sflag:s8], $0x4000  }
0x150: {  	[sflag:s8] =	ssyncset.done $0x0  }
0x151: {  	s31 =	rddreg [dreg:$0x5];
	[sflag:s8] =	ssyncadd.s32 $0xFFFFC000  }
0x152: {  	[hbm4b:s31+s2] =	stream.linear.scatter [tilespmem:s14], [sflag:$0x4], $0x4000, $0x38;
	[tilespmem:$0x10800] =	vst v63  }
0x153: {  	_ = 	snop  }
0x154: {  	[tilespmem:s9], [sflag:$0x2] =	stream.indirect.gather [hbm4b:s3+s13], $0x80, s29, s13, $0xb8;
	[tilespmem:$0x10800] =	vst v63  }
0x155: {  	_ =	swait.ge [sflag:s7], $0x4000  }
0x156: {  	[sflag:s7] =	ssyncset.done $0x0  }
0x157: {  	[sflag:s7] =	ssyncadd.s32 $0xFFFFC000  }
0x158: {  	_ =	swait.ge [sflag:s11], $0x4000  }
0x159: {  	[sflag:s11] =	ssyncset.done $0x0  }
0x15a: {  	s1 =	rddreg [dreg:$0x6];
	[sflag:s11] =	ssyncadd.s32 $0xFFFFC000  }
0x15b: {  	[hbm4b:s1+s2] =	stream.linear.scatter [tilespmem:s12], [sflag:$0x3], $0x4000, $0x38;
	[tilespmem:$0x10800] =	vst v63  }
0x15c: {  	_ = 	snop  }
0x15d: {  	[tilespmem:s15], [sflag:$0x1] =	stream.indirect.gather [hbm4b:s3+s13], $0x80, s28, s13, $0xb8;
	[tilespmem:$0x10800] =	vst v63  }
0x15e: {  	_ =	swait.ge [sflag:s6], $0x4000  }
0x15f: {  	[sflag:s6] =	ssyncset.done $0x0  }
0x160: {  	[sflag:s6] =	ssyncadd.s32 $0xFFFFC000  }
0x161: {  	_ =	swait.ge [sflag:s8], $0x4000  }
0x162: {  	[sflag:s8] =	ssyncset.done $0x0  }
0x163: {  	s29 =	rddreg [dreg:$0x7];
	[sflag:s8] =	ssyncadd.s32 $0xFFFFC000  }
0x164: {  	[hbm4b:s29+s2] =	stream.linear.scatter [tilespmem:s9], [sflag:$0x4], $0x4000, $0x38;
	[tilespmem:$0x10800] =	vst v63  }
0x165: {  	_ = 	snop  }
0x166: {  	[tilespmem:s14], [sflag:$0x2] =	stream.indirect.gather [hbm4b:s3+s13], $0x80, s26, s13, $0xb8;
	[tilespmem:$0x10800] =	vst v63  }
0x167: {  	_ =	swait.ge [sflag:s7], $0x4000  }
0x168: {  	[sflag:s7] =	ssyncset.done $0x0  }
0x169: {  	[sflag:s7] =	ssyncadd.s32 $0xFFFFC000  }
0x16a: {  	_ =	swait.ge [sflag:s11], $0x4000  }
0x16b: {  	[sflag:s11] =	ssyncset.done $0x0  }
0x16c: {  	s30 =	rddreg [dreg:$0x8];
	[sflag:s11] =	ssyncadd.s32 $0xFFFFC000  }
0x16d: {  	[hbm4b:s30+s2] =	stream.linear.scatter [tilespmem:s15], [sflag:$0x3], $0x4000, $0x38;
	[tilespmem:$0x10800] =	vst v63  }
0x16e: {  	_ = 	snop  }
0x16f: {  	[tilespmem:s12], [sflag:$0x1] =	stream.indirect.gather [hbm4b:s3+s13], $0x80, s25, s13, $0xb8;
	[tilespmem:$0x10800] =	vst v63  }
0x170: {  	_ =	swait.ge [sflag:s6], $0x4000  }
0x171: {  	[sflag:s6] =	ssyncset.done $0x0  }
0x172: {  	[sflag:s6] =	ssyncadd.s32 $0xFFFFC000  }
0x173: {  	_ =	swait.ge [sflag:s8], $0x4000  }
0x174: {  	[sflag:s8] =	ssyncset.done $0x0  }
0x175: {  	s31 =	rddreg [dreg:$0x9];
	[sflag:s8] =	ssyncadd.s32 $0xFFFFC000  }
0x176: {  	[hbm4b:s31+s2] =	stream.linear.scatter [tilespmem:s14], [sflag:$0x4], $0x4000, $0x38;
	[tilespmem:$0x10800] =	vst v63  }
0x177: {  	_ = 	snop  }
0x178: {  	[tilespmem:s9], [sflag:$0x2] =	stream.indirect.gather [hbm4b:s3+s13], $0x80, s24, s13, $0xb8;
	[tilespmem:$0x10800] =	vst v63  }
0x179: {  	_ =	swait.ge [sflag:s7], $0x4000  }
0x17a: {  	[sflag:s7] =	ssyncset.done $0x0  }
0x17b: {  	[sflag:s7] =	ssyncadd.s32 $0xFFFFC000  }
0x17c: {  	_ =	swait.ge [sflag:s11], $0x4000  }
0x17d: {  	[sflag:s11] =	ssyncset.done $0x0  }
0x17e: {  	s1 =	rddreg [dreg:$0xa];
	[sflag:s11] =	ssyncadd.s32 $0xFFFFC000  }
0x17f: {  	[hbm4b:s1+s2] =	stream.linear.scatter [tilespmem:s12], [sflag:$0x3], $0x4000, $0x38;
	[tilespmem:$0x10800] =	vst v63  }
0x180: {  	_ = 	snop  }
0x181: {  	[tilespmem:s15], [sflag:$0x1] =	stream.indirect.gather [hbm4b:s3+s13], $0x80, s23, s13, $0xb8;
	[tilespmem:$0x10800] =	vst v63  }
0x182: {  	_ =	swait.ge [sflag:s6], $0x4000  }
0x183: {  	[sflag:s6] =	ssyncset.done $0x0  }
0x184: {  	[sflag:s6] =	ssyncadd.s32 $0xFFFFC000  }
0x185: {  	_ =	swait.ge [sflag:s8], $0x4000  }
0x186: {  	[sflag:s8] =	ssyncset.done $0x0  }
0x187: {  	s24 =	rddreg [dreg:$0xb];
	[sflag:s8] =	ssyncadd.s32 $0xFFFFC000  }
0x188: {  	[hbm4b:s24+s2] =	stream.linear.scatter [tilespmem:s9], [sflag:$0x4], $0x4000, $0x38;
	[tilespmem:$0x10800] =	vst v63  }
0x189: {  	_ = 	snop  }
0x18a: {  	[tilespmem:s14], [sflag:$0x2] =	stream.indirect.gather [hbm4b:s3+s13], $0x80, s22, s13, $0xb8;
	[tilespmem:$0x10800] =	vst v63  }
0x18b: {  	_ =	swait.ge [sflag:s7], $0x4000  }
0x18c: {  	[sflag:s7] =	ssyncset.done $0x0  }
0x18d: {  	[sflag:s7] =	ssyncadd.s32 $0xFFFFC000  }
0x18e: {  	_ =	swait.ge [sflag:s11], $0x4000  }
0x18f: {  	[sflag:s11] =	ssyncset.done $0x0  }
0x190: {  	s25 =	rddreg [dreg:$0xc];
	[sflag:s11] =	ssyncadd.s32 $0xFFFFC000  }
0x191: {  	[hbm4b:s25+s2] =	stream.linear.scatter [tilespmem:s15], [sflag:$0x3], $0x4000, $0x38;
	[tilespmem:$0x10800] =	vst v63  }
0x192: {  	_ = 	snop  }
0x193: {  	[tilespmem:s12], [sflag:$0x1] =	stream.indirect.gather [hbm4b:s3+s13], $0x80, s21, s13, $0xb8;
	[tilespmem:$0x10800] =	vst v63  }
0x194: {  	_ =	swait.ge [sflag:s6], $0x4000  }
0x195: {  	[sflag:s6] =	ssyncset.done $0x0  }
0x196: {  	[sflag:s6] =	ssyncadd.s32 $0xFFFFC000  }
0x197: {  	_ =	swait.ge [sflag:s8], $0x4000  }
0x198: {  	[sflag:s8] =	ssyncset.done $0x0  }
0x199: {  	s26 =	rddreg [dreg:$0xd];
	[sflag:s8] =	ssyncadd.s32 $0xFFFFC000  }
0x19a: {  	[hbm4b:s26+s2] =	stream.linear.scatter [tilespmem:s14], [sflag:$0x4], $0x4000, $0x38;
	[tilespmem:$0x10800] =	vst v63  }
0x19b: {  	_ = 	snop  }
0x19c: {  	[tilespmem:s9], [sflag:$0x2] =	stream.indirect.gather [hbm4b:s3+s13], $0x80, s20, s13, $0xb8;
	[tilespmem:$0x10800] =	vst v63  }
0x19d: {  	_ =	swait.ge [sflag:s7], $0x4000  }
0x19e: {  	[sflag:s7] =	ssyncset.done $0x0  }
0x19f: {  	[sflag:s7] =	ssyncadd.s32 $0xFFFFC000  }
0x1a0: {  	_ =	swait.ge [sflag:s11], $0x4000  }
0x1a1: {  	[sflag:s11] =	ssyncset.done $0x0  }
0x1a2: {  	s28 =	rddreg [dreg:$0xe];
	[sflag:s11] =	ssyncadd.s32 $0xFFFFC000  }
0x1a3: {  	[hbm4b:s28+s2] =	stream.linear.scatter [tilespmem:s12], [sflag:$0x3], $0x4000, $0x38;
	[tilespmem:$0x10800] =	vst v63  }
0x1a4: {  	_ = 	snop  }
0x1a5: {  	[tilespmem:s15], [sflag:$0x1] =	stream.indirect.gather [hbm4b:s3+s13], $0x80, s19, s13, $0xb8;
	[tilespmem:$0x10800] =	vst v63  }
0x1a6: {  	_ =	swait.ge [sflag:s6], $0x4000  }
0x1a7: {  	[sflag:s6] =	ssyncset.done $0x0  }
0x1a8: {  	[sflag:s6] =	ssyncadd.s32 $0xFFFFC000  }
0x1a9: {  	_ =	swait.ge [sflag:s8], $0x4000  }
0x1aa: {  	[sflag:s8] =	ssyncset.done $0x0  }
0x1ab: {  	s29 =	rddreg [dreg:$0xf];
	[sflag:s8] =	ssyncadd.s32 $0xFFFFC000  }
0x1ac: {  	[hbm4b:s29+s2] =	stream.linear.scatter [tilespmem:s9], [sflag:$0x4], $0x4000, $0x38;
	[tilespmem:$0x10800] =	vst v63  }
0x1ad: {  	_ = 	snop  }
0x1ae: {  	[tilespmem:s14], [sflag:$0x2] =	stream.indirect.gather [hbm4b:s3+s13], $0x80, s18, s13, $0xb8;
	[tilespmem:$0x10800] =	vst v63  }
0x1af: {  	_ =	swait.ge [sflag:s7], $0x4000  }
0x1b0: {  	[sflag:s7] =	ssyncset.done $0x0  }
0x1b1: {  	[sflag:s7] =	ssyncadd.s32 $0xFFFFC000  }
0x1b2: {  	_ =	swait.ge [sflag:s11], $0x4000  }
0x1b3: {  	[sflag:s11] =	ssyncset.done $0x0  }
0x1b4: {  	s30 =	rddreg [dreg:$0x10];
	[sflag:s11] =	ssyncadd.s32 $0xFFFFC000  }
0x1b5: {  	[hbm4b:s30+s2] =	stream.linear.scatter [tilespmem:s15], [sflag:$0x3], $0x4000, $0x38;
	[tilespmem:$0x10800] =	vst v63  }
0x1b6: {  	_ = 	snop  }
0x1b7: {  	[tilespmem:s12], [sflag:$0x1] =	stream.indirect.gather [hbm4b:s3+s13], $0x80, s17, s13, $0xb8;
	[tilespmem:$0x10800] =	vst v63  }
0x1b8: {  	_ =	swait.ge [sflag:s6], $0x4000  }
0x1b9: {  	[sflag:s6] =	ssyncset.done $0x0  }
0x1ba: {  	[sflag:s6] =	ssyncadd.s32 $0xFFFFC000  }
0x1bb: {  	_ =	swait.ge [sflag:s8], $0x4000  }
0x1bc: {  	[sflag:s8] =	ssyncset.done $0x0  }
0x1bd: {  	[sflag:s8] =	ssyncadd.s32 $0xFFFFC000  }
0x1be: {  	[hbm4b:s10+s2] =	stream.linear.scatter [tilespmem:s14], [sflag:$0x4], $0x4000, $0x38;
	[tilespmem:$0x10800] =	vst v63  }
0x1bf: {  	_ = 	snop  }
0x1c0: {  	[tilespmem:s9], [sflag:$0x2] =	stream.indirect.gather [hbm4b:s3+s13], $0x80, s16, s13, $0xb8;
	[tilespmem:$0x10800] =	vst v63  }
0x1c1: {  	_ =	swait.ge [sflag:s7], $0x4000  }
0x1c2: {  	[sflag:s7] =	ssyncset.done $0x0  }
0x1c3: {  	[sflag:s7] =	ssyncadd.s32 $0xFFFFC000  }
0x1c4: {  	_ =	swait.ge [sflag:s11], $0x4000  }
0x1c5: {  	[sflag:s11] =	ssyncset.done $0x0  }
0x1c6: {  	[sflag:s11] =	ssyncadd.s32 $0xFFFFC000  }
0x1c7: {  	[hbm4b:s5+s2] =	stream.linear.scatter [tilespmem:s12], [sflag:$0x3], $0x4000, $0x38;
	[tilespmem:$0x10800] =	vst v63  }
0x1c8: {  	_ =	swait.ge [sflag:s6], $0x4000  }
0x1c9: {  	[sflag:s6] =	ssyncset.done $0x0  }
0x1ca: {  	[sflag:s6] =	ssyncadd.s32 $0xFFFFC000  }
0x1cb: {  	_ =	swait.ge [sflag:s8], $0x4000  }
0x1cc: {  	[sflag:s8] =	ssyncset.done $0x0  }
0x1cd: {  	[sflag:s8] =	ssyncadd.s32 $0xFFFFC000  }
0x1ce: {  	[hbm4b:s4+s2] =	stream.linear.scatter [tilespmem:s9], [sflag:$0x4], $0x4000, $0x38;
	[tilespmem:$0x10800] =	vst v63  }
0x1cf: {  	_ =	swait.ge [sflag:s7], $0x4000  }
0x1d0: {  	[sflag:s7] =	ssyncset.done $0x0  }
0x1d1: {  	[sflag:s7] =	ssyncadd.s32 $0xFFFFC000  }
0x1d2: {  	_ =	swait.ge [sflag:s6], $0x4000  }
0x1d3: {  	[sflag:s6] =	ssyncset.done $0x0  }
0x1d4: {  	[sflag:s6] =	ssyncadd.s32 $0xFFFFC000  }
0x1d5: {  	_ =	sfence.sel $0x180000  }
0x1d6: {  	[bflag:$0x0] =	sbarrier.arrive $0xFFFF  }
0x1d7: {  	_ =	strace $0x90000047  }
0x1d8: {  	s31 =	stileid.u32;
	[bflag:$0x2] =	sbarrier.arrive $0xFFFF  }
0x1d9: {  	p0 =	sne.s32 s31, $0x0;
	s0 =	rddreg [dreg:$0x2]  }
0x1da: {  	s0 =	sadd.s32 @!p0 $0x100000, s0  }
0x1db: {  	[sflag:s0] =	ssyncadd.tile.s32 @!p0 $0x1;
	_ =	shalt  }
.Lfunc_end2:
_tile_overlayer_lowered:
.L_overlay_start_2:
0x1dc: {  	(tag) =	ssettag $0x2  }
0x1dd: {  	s0 =	rddreg [dreg:$0x0];
	s2 =	stileid.u32  }
0x1de: {  	s1 =	rddreg [dreg:$0x1];
	p0 =	sne.s32 s2, $0x0  }
0x1df: {  	s3 =	rddreg [dreg:$0x2];
	[bflag:$0x3] =	sbarrier.arrive $0xFFFF;
	s2 =	simm.s32 @!p0 $0x1C05  }
0x1e0: {  	[timem:s3], [sflag:s2] =	dma.local @!p0 [hbm:s0], s1  }
0x1e1: {  	s0 =	simm.s32 @!p0 $0x5  }
0x1e2: {  	_ =	swait.ge @!p0 [sflag:s0], s1  }
0x1e3: {  	s1 =	ssub.s32 @!p0 $0x0, s1;
	[sflag:s0] =	ssyncset.done @!p0 $0x0  }
0x1e4: {  	[sflag:s0] =	ssyncadd.s32 @!p0 s1  }
0x1e5: {  	[bflag:$0x3] =	sbarrier.arrive $0xFFFF  }
0x1e6: {  	_ =	shalt  }

</sc_bundles>
